<compile_context>
chip_gen: v7x
topology: tpu7x:2x2x1
jax: 0.10.2.dev20260603
libtpu: 0.0.44.dev20260713+nightly
codegen_flags: <defaults>
</compile_context>

<pallas_src>
import functools

import jax
import jax.numpy as jnp
from jax import lax
from jax.experimental import pallas as pl
from jax.experimental.pallas import tpu as pltpu
from jax.experimental.pallas import tpu_sc as plsc

BATCH = 16384
DIM = 32
HPAD = 64
EPS = 1e-3

_NC = 2
_NS = 16
_NW = _NC * _NS
_BPW = BATCH // _NW
_G = 16
_NG = _BPW // _G


def _sc_gather_t(user_idx, item_idx, utab_t, itab_t):
    mesh = plsc.VectorSubcoreMesh(core_axis_name="c", subcore_axis_name="s")

    @functools.partial(
        pl.kernel,
        mesh=mesh,
        compiler_params=pltpu.CompilerParams(
            use_tc_tiling_on_sc=True, needs_layout_passes=False),
        out_type=[
            jax.ShapeDtypeStruct((DIM, BATCH), jnp.float32),
            jax.ShapeDtypeStruct((DIM, BATCH), jnp.float32),
        ],
        scratch_types=[
            pltpu.VMEM((_BPW,), jnp.int32),
            pltpu.VMEM((_BPW,), jnp.int32),
            pltpu.VMEM((_G * DIM, 128), jnp.float32),
            pltpu.VMEM((DIM, _BPW), jnp.float32),
            pltpu.SemaphoreType.DMA,
        ],
    )
    def gather_kernel(uidx_hbm, iidx_hbm, utab_hbm, itab_hbm,
                      uout_hbm, iout_hbm,
                      uidx_v, iidx_v, slab_v, rows_v, sem):
        wid = lax.axis_index("s") * _NC + lax.axis_index("c")
        base = wid * _BPW
        pltpu.sync_copy(uidx_hbm.at[pl.ds(base, _BPW)], uidx_v)
        pltpu.sync_copy(iidx_hbm.at[pl.ds(base, _BPW)], iidx_v)
        lanes = lax.iota(jnp.int32, 16)

        def one_table(idx_v, tab_hbm, out_hbm):
            def grp(g, _):
                chunk = idx_v[pl.ds(g * _G, _G)]

                def fire(k, _):
                    r = lax.reduce_max(
                        jnp.where(lanes == k, chunk, 0), (0,))
                    c0 = pl.multiple_of((r // 128) * 128, 128)
                    pltpu.async_copy(
                        tab_hbm.at[:, pl.ds(c0, 128)],
                        slab_v.at[pl.ds(k * DIM, DIM)], sem)
                    return 0

                lax.fori_loop(0, _G, fire, 0)

                def drain(k, _):
                    pltpu.make_async_copy(
                        tab_hbm.at[:, pl.ds(0, 128)],
                        slab_v.at[pl.ds(0, DIM)], sem).wait()
                    return 0

                lax.fori_loop(0, _G, drain, 0)
                lv = jnp.bitwise_and(chunk, 127)
                for f in range(DIM):
                    vals = plsc.load_gather(
                        slab_v, [lanes * DIM + f, lv])
                    rows_v[f, pl.ds(g * _G, _G)] = vals
                return 0

            lax.fori_loop(0, _NG, grp, 0)
            pltpu.sync_copy(rows_v, out_hbm.at[:, pl.ds(base, _BPW)])

        one_table(uidx_v, utab_hbm, uout_hbm)
        one_table(iidx_v, itab_hbm, iout_hbm)

    return gather_kernel(user_idx, item_idx, utab_t, itab_t)


def _mlp_body(ie_ref, ue_ref, ai_ref, au_ref, b1_ref, w2_ref, b2_ref,
              w3_ref, b3_ref, out_ref):
    h = jnp.dot(ai_ref[...], ie_ref[...], preferred_element_type=jnp.float32)
    h = h + jnp.dot(au_ref[...], ue_ref[...], preferred_element_type=jnp.float32)
    h = jax.nn.relu(h + b1_ref[...])
    h = jax.nn.relu(
        jnp.dot(w2_ref[...], h, preferred_element_type=jnp.float32) + b2_ref[...])
    z = jnp.dot(w3_ref[...], h, preferred_element_type=jnp.float32)
    out_ref[...] = jax.nn.sigmoid(z[0:1, :] + b3_ref[...])


def _tc_mlp(i_embT, u_embT, AiT, AuT, b1c, W2T, b2c, W3T, b3c):
    bb = 2048
    grid = (BATCH // bb,)
    return pl.pallas_call(
        _mlp_body,
        grid=grid,
        in_specs=[
            pl.BlockSpec((DIM, bb), lambda i: (0, i)),
            pl.BlockSpec((DIM, bb), lambda i: (0, i)),
            pl.BlockSpec((HPAD, DIM), lambda i: (0, 0)),
            pl.BlockSpec((HPAD, DIM), lambda i: (0, 0)),
            pl.BlockSpec((HPAD, 1), lambda i: (0, 0)),
            pl.BlockSpec((HPAD, HPAD), lambda i: (0, 0)),
            pl.BlockSpec((HPAD, 1), lambda i: (0, 0)),
            pl.BlockSpec((8, HPAD), lambda i: (0, 0)),
            pl.BlockSpec((1, 1), lambda i: (0, 0)),
        ],
        out_specs=pl.BlockSpec((1, bb), lambda i: (0, i)),
        out_shape=jax.ShapeDtypeStruct((1, BATCH), jnp.float32),
    )(i_embT, u_embT, AiT, AuT, b1c, W2T, b2c, W3T, b3c)


def kernel(user, item, user_table, item_table, gamma, beta, mean, var,
           W1, b1, W2, b2, W3, b3):
    s = gamma * lax.rsqrt(var + EPS)
    t = beta - mean * s
    A = s[:, None] * W1
    b1f = b1 + t @ W1
    AiT = jnp.zeros((HPAD, DIM), jnp.float32).at[:50].set(A[:DIM].T)
    AuT = jnp.zeros((HPAD, DIM), jnp.float32).at[:50].set(A[DIM:].T)
    b1c = jnp.zeros((HPAD, 1), jnp.float32).at[:50, 0].set(b1f)
    W2T = jnp.zeros((HPAD, HPAD), jnp.float32).at[:50, :50].set(W2.T)
    b2c = jnp.zeros((HPAD, 1), jnp.float32).at[:50, 0].set(b2)
    W3T = jnp.zeros((8, HPAD), jnp.float32).at[0, :50].set(W3[:, 0])
    b3c = b3.reshape(1, 1)

    u_embT, i_embT = _sc_gather_t(user, item, user_table.T, item_table.T)
    out_t = _tc_mlp(i_embT, u_embT, AiT, AuT, b1c, W2T, b2c, W3T, b3c)
    return out_t.reshape(BATCH, 1)

# --- scband reference (transcript-rebuilt; emitter-appended) ---
"""Pipeline reference for scband-base-45088566673985 (READ-ONLY COPY).

The authoritative reference and input builder live on the scoring server;
editing this copy changes nothing except your own understanding.
"""

import jax, jax.numpy as jnp
import numpy as np

USER_COUNT = 1000000
ITEM_COUNT = 1000000
USER_DIM = 32
ITEM_DIM = 32
BATCH = 16384
JOINT = USER_DIM + ITEM_DIM
EPS = 1e-3


def setup_inputs(seed: int = 0) -> dict:
    key = jax.random.key(seed)
    ks = jax.random.split(key, 10)
    user = jax.random.randint(ks[0], (BATCH,), 0, USER_COUNT, dtype=jnp.int32)
    item = jax.random.randint(ks[1], (BATCH,), 0, ITEM_COUNT, dtype=jnp.int32)
    user_table = jax.random.normal(ks[2], (USER_COUNT, USER_DIM), dtype=jnp.float32) * 0.05
    item_table = jax.random.normal(ks[3], (ITEM_COUNT, ITEM_DIM), dtype=jnp.float32) * 0.05
    gamma = jnp.ones((JOINT,), dtype=jnp.float32)
    beta = jnp.zeros((JOINT,), dtype=jnp.float32)
    mean = jnp.zeros((JOINT,), dtype=jnp.float32)
    var = jnp.ones((JOINT,), dtype=jnp.float32)
    W1 = jax.random.normal(ks[4], (JOINT, 50), dtype=jnp.float32) * (1.0 / np.sqrt(JOINT))
    b1 = jnp.zeros((50,), dtype=jnp.float32)
    W2 = jax.random.normal(ks[5], (50, 50), dtype=jnp.float32) * (1.0 / np.sqrt(50))
    b2 = jnp.zeros((50,), dtype=jnp.float32)
    W3 = jax.random.normal(ks[6], (50, 1), dtype=jnp.float32) * (1.0 / np.sqrt(50))
    b3 = jnp.zeros((1,), dtype=jnp.float32)
    return {"user": user, "item": item, "user_table": user_table, "item_table": item_table,
            "gamma": gamma, "beta": beta, "mean": mean, "var": var,
            "W1": W1, "b1": b1, "W2": W2, "b2": b2, "W3": W3, "b3": b3}


def reference(user, item, user_table, item_table, gamma, beta, mean, var, W1, b1, W2, b2, W3, b3):
    # embedding lookups (SparseCore gather)
    user_emb = jnp.take(user_table, user, axis=0)
    item_emb = jnp.take(item_table, item, axis=0)
    # concat [item_emb, user_emb] as in the original call()
    x = jnp.concatenate([item_emb, user_emb], axis=-1)
    # BatchNormalization in inference mode (Keras default eps=1e-3)
    x = (x - mean) / jnp.sqrt(var + EPS) * gamma + beta
    h = jax.nn.relu(x @ W1 + b1)
    h = jax.nn.relu(h @ W2 + b2)
    logit = jax.nn.sigmoid(h @ W3 + b3)
    return logit

if __name__ == "__main__":
    import jax
    _d = setup_inputs()
    print(jax.jit(kernel)(*tuple(_d.values())))

</pallas_src>

<mosaic_0001>
#map = affine_map<(d0, d1) -> (0)>
#map1 = affine_map<(d0, d1) -> (0, 0)>
module attributes {stable_mosaic.version = 14 : i64} {
  func.func @gather_kernel(%arg0: i32, %arg1: i32, %arg2: memref<16384xi32, #tpu.memory_space<hbm>>, %arg3: memref<16384xi32, #tpu.memory_space<hbm>>, %arg4: memref<32x1000000xf32, #tpu.memory_space<hbm>>, %arg5: memref<32x1000000xf32, #tpu.memory_space<hbm>>, %arg6: memref<32x16384xf32, #tpu.memory_space<hbm>>, %arg7: memref<32x16384xf32, #tpu.memory_space<hbm>>, %arg8: memref<512xi32, #tpu.memory_space<vmem>>, %arg9: memref<512xi32, #tpu.memory_space<vmem>>, %arg10: memref<512x128xf32, #tpu.memory_space<vmem>>, %arg11: memref<32x512xf32, #tpu.memory_space<vmem>>, %arg12: memref<!tpu.dma_semaphore, #tpu.memory_space<semaphore_mem>>) attributes {dimension_semantics = [#tpu.dimension_semantics<core_parallel>, #tpu.dimension_semantics<subcore_parallel>], iteration_bounds = array<i64: 2, 16>, scalar_prefetch = 0 : i64, scratch_operands = 5 : i64, tpu.core_type = #tpu.core_type<sc_vector_subcore>, window_params = [{transform_indices = #map}, {transform_indices = #map}, {transform_indices = #map1}, {transform_indices = #map1}, {transform_indices = #map1}, {transform_indices = #map1}]} {
    %mul3A = arith.constant 2 : i32
    %mul3A_0 = arith.muli %arg1, %mul3A : i32
    %add3A = arith.addi %mul3A_0, %arg0 : i32
    %mul3A_1 = arith.constant 512 : i32
    %mul3A_2 = arith.muli %add3A, %mul3A_1 : i32
    "tpu.region"() ({
      %run_scoped3A = tpu.sem_alloc : memref<!tpu.dma_semaphore, #tpu.memory_space<semaphore_mem>>
      %dma_start3A = tpu.memref_slice %arg2[%mul3A_2] : memref<16384xi32, #tpu.memory_space<hbm>> -> memref<512xi32, #tpu.memory_space<hbm>>
      %dma_start3A_16 = tpu.memref_slice %arg2[%mul3A_2] : memref<16384xi32, #tpu.memory_space<hbm>> -> memref<512xi32, #tpu.memory_space<hbm>>
      tpu.enqueue_dma source(%dma_start3A_16 : memref<512xi32, #tpu.memory_space<hbm>>) target(%arg8 : memref<512xi32, #tpu.memory_space<vmem>>) target_semaphore(%run_scoped3A : memref<!tpu.dma_semaphore, #tpu.memory_space<semaphore_mem>>)
      %dma_wait3A = tpu.memref_slice %arg2[%mul3A_2] : memref<16384xi32, #tpu.memory_space<hbm>> -> memref<512xi32, #tpu.memory_space<hbm>>
      %dma_wait3A_17 = tpu.memref_slice %arg2[%mul3A_2] : memref<16384xi32, #tpu.memory_space<hbm>> -> memref<512xi32, #tpu.memory_space<hbm>>
      tpu.wait_dma2 semaphore(%run_scoped3A : memref<!tpu.dma_semaphore, #tpu.memory_space<semaphore_mem>>) src(%dma_wait3A_17 : memref<512xi32, #tpu.memory_space<hbm>>) dst(%arg8 : memref<512xi32, #tpu.memory_space<vmem>>)
      tpu.yield
    }) : () -> ()
    "tpu.region"() ({
      %run_scoped3A = tpu.sem_alloc : memref<!tpu.dma_semaphore, #tpu.memory_space<semaphore_mem>>
      %dma_start3A = tpu.memref_slice %arg3[%mul3A_2] : memref<16384xi32, #tpu.memory_space<hbm>> -> memref<512xi32, #tpu.memory_space<hbm>>
      %dma_start3A_16 = tpu.memref_slice %arg3[%mul3A_2] : memref<16384xi32, #tpu.memory_space<hbm>> -> memref<512xi32, #tpu.memory_space<hbm>>
      tpu.enqueue_dma source(%dma_start3A_16 : memref<512xi32, #tpu.memory_space<hbm>>) target(%arg9 : memref<512xi32, #tpu.memory_space<vmem>>) target_semaphore(%run_scoped3A : memref<!tpu.dma_semaphore, #tpu.memory_space<semaphore_mem>>)
      %dma_wait3A = tpu.memref_slice %arg3[%mul3A_2] : memref<16384xi32, #tpu.memory_space<hbm>> -> memref<512xi32, #tpu.memory_space<hbm>>
      %dma_wait3A_17 = tpu.memref_slice %arg3[%mul3A_2] : memref<16384xi32, #tpu.memory_space<hbm>> -> memref<512xi32, #tpu.memory_space<hbm>>
      tpu.wait_dma2 semaphore(%run_scoped3A : memref<!tpu.dma_semaphore, #tpu.memory_space<semaphore_mem>>) src(%dma_wait3A_17 : memref<512xi32, #tpu.memory_space<hbm>>) dst(%arg9 : memref<512xi32, #tpu.memory_space<vmem>>)
      tpu.yield
    }) : () -> ()
    %iota3A = tpu.iota {dimensions = array<i32: 0>} : vector<16xi32>
    %scan3A = arith.constant 0 : i32
    %scan3A_3 = arith.constant 0 : i32
    %scan3A_4 = arith.constant 32 : i32
    %scan3A_5 = arith.addi %scan3A_3, %scan3A_4 : i32
    %scan3A_6 = arith.constant 1 : i32
    %scan3A_7 = scf.for %scan3A_16 = %scan3A_3 to %scan3A_5 step %scan3A_6 iter_args(%scan3A_17 = %scan3A) -> (i32)  : i32 {
      %mul3A_18 = arith.constant 16 : i32
      %mul3A_19 = arith.muli %scan3A_16, %mul3A_18 : i32
      %get3A = arith.index_cast %mul3A_19 : i32 to index
      %get3A_20 = tpu.vector_load %arg8[%get3A] {strides = array<i32>} : memref<512xi32, #tpu.memory_space<vmem>>, vector<16xi32>,
      %scan3A_21 = arith.constant 0 : i32
      %scan3A_22 = arith.constant 0 : i32
      %scan3A_23 = arith.constant 16 : i32
      %scan3A_24 = arith.addi %scan3A_22, %scan3A_23 : i32
      %scan3A_25 = arith.constant 1 : i32
      %scan3A_26 = scf.for %scan3A_452 = %scan3A_22 to %scan3A_24 step %scan3A_25 iter_args(%scan3A_453 = %scan3A_21) -> (i32)  : i32 {
        %eq3A = vector.broadcast %scan3A_452 : i32 to vector<16xi32>
        %eq3A_454 = arith.cmpi eq, %iota3A, %eq3A : vector<16xi32>
        %jit3A = arith.constant 0 : i32
        %broadcast_in_dim3A = vector.broadcast %jit3A : i32 to vector<16xi32>
        %select_n3A = arith.select %eq3A_454, %get3A_20, %broadcast_in_dim3A : vector<16xi1>, vector<16xi32>
        %reduce_max3A = arith.constant true
        %reduce_max3A_455 = vector.broadcast %reduce_max3A : i1 to vector<16xi1>
        %reduce_max3A_456 = arith.constant -2147483648 : i32
        %reduce_max3A_457 = vector.broadcast %reduce_max3A_456 : i32 to vector<16xi32>
        %reduce_max3A_458 = arith.xori %select_n3A, %reduce_max3A_457 : vector<16xi32>
        %reduce_max3A_459 = tpu.scan <max>, %reduce_max3A_458 masked %reduce_max3A_455 : vector<16xi32>, vector<16xi1> -> vector<16xi32>
        %reduce_max3A_460 = arith.xori %reduce_max3A_459, %reduce_max3A_457 : vector<16xi32>
        %reduce_max3A_461 = vector.extract %reduce_max3A_460[15] : i32 from vector<16xi32>
        %jit3A_462 = arith.constant 128 : i32
        %div3A = arith.divsi %reduce_max3A_461, %jit3A_462 : i32
        %sign3A = arith.constant 0 : i32
        %sign3A_463 = arith.cmpi sgt, %reduce_max3A_461, %sign3A : i32
        %sign3A_464 = arith.extui %sign3A_463 : i1 to i32
        %sign3A_465 = arith.constant 0 : i32
        %sign3A_466 = arith.cmpi slt, %reduce_max3A_461, %sign3A_465 : i32
        %sign3A_467 = arith.extui %sign3A_466 : i1 to i32
        %sign3A_468 = arith.subi %sign3A_464, %sign3A_467 : i32
        %sign3A_469 = arith.constant 0 : i32
        %sign3A_470 = arith.cmpi sgt, %jit3A_462, %sign3A_469 : i32
        %sign3A_471 = arith.extui %sign3A_470 : i1 to i32
        %sign3A_472 = arith.constant 0 : i32
        %sign3A_473 = arith.cmpi slt, %jit3A_462, %sign3A_472 : i32
        %sign3A_474 = arith.extui %sign3A_473 : i1 to i32
        %sign3A_475 = arith.subi %sign3A_471, %sign3A_474 : i32
        %ne3A = arith.cmpi ne, %sign3A_468, %sign3A_475 : i32
        %rem3A = arith.remsi %reduce_max3A_461, %jit3A_462 : i32
        %ne3A_476 = arith.constant 0 : i32
        %ne3A_477 = arith.cmpi ne, %rem3A, %ne3A_476 : i32
        %and3A_478 = arith.andi %ne3A, %ne3A_477 : i1
        %sub3A = arith.constant 1 : i32
        %sub3A_479 = arith.subi %div3A, %sub3A : i32
        %select_n3A_480 = arith.select %and3A_478, %sub3A_479, %div3A : i32
        %mul3A_481 = arith.constant 128 : i32
        %mul3A_482 = arith.muli %select_n3A_480, %mul3A_481 : i32
        %multiple_of3A = tpu.assume_multiple %mul3A_482, 128 : i32
        %mul3A_483 = arith.constant 32 : i32
        %mul3A_484 = arith.muli %scan3A_452, %mul3A_483 : i32
        %dma_start3A = arith.constant 0 : i32
        %dma_start3A_485 = tpu.memref_slice %arg10[%mul3A_484, %dma_start3A] : memref<512x128xf32, #tpu.memory_space<vmem>> -> memref<32x128xf32, #tpu.memory_space<vmem>>
        %dma_start3A_486 = arith.constant 0 : i32
        %dma_start3A_487 = tpu.memref_slice %arg4[%dma_start3A_486, %multiple_of3A] : memref<32x1000000xf32, #tpu.memory_space<hbm>> -> memref<32x128xf32, #tpu.memory_space<hbm>>
        %dma_start3A_488 = arith.constant 0 : i32
        %dma_start3A_489 = tpu.memref_slice %arg10[%mul3A_484, %dma_start3A_488] : memref<512x128xf32, #tpu.memory_space<vmem>> -> memref<32x128xf32, #tpu.memory_space<vmem>>
        %dma_start3A_490 = arith.constant 0 : i32
        %dma_start3A_491 = tpu.memref_slice %arg4[%dma_start3A_490, %multiple_of3A] : memref<32x1000000xf32, #tpu.memory_space<hbm>> -> memref<32x128xf32, #tpu.memory_space<hbm>>
        tpu.enqueue_dma source(%dma_start3A_491 : memref<32x128xf32, #tpu.memory_space<hbm>>) target(%dma_start3A_489 : memref<32x128xf32, #tpu.memory_space<vmem>>) target_semaphore(%arg12 : memref<!tpu.dma_semaphore, #tpu.memory_space<semaphore_mem>>)
        %scan3A_492 = arith.constant 0 : i32
        scf.yield %scan3A_492 : i32
      }
      %scan3A_27 = arith.constant 16 : i32
      %scan3A_28 = arith.constant 0 : i32
      %scan3A_29 = arith.constant 0 : i32
      %scan3A_30 = arith.constant 16 : i32
      %scan3A_31 = arith.addi %scan3A_29, %scan3A_30 : i32
      %scan3A_32 = arith.constant 1 : i32
      %scan3A_33 = scf.for %scan3A_452 = %scan3A_29 to %scan3A_31 step %scan3A_32 iter_args(%scan3A_453 = %scan3A_28) -> (i32)  : i32 {
        %dma_wait3A = arith.constant 0 : i32
        %dma_wait3A_454 = arith.constant 0 : i32
        %dma_wait3A_455 = tpu.memref_slice %arg10[%dma_wait3A, %dma_wait3A_454] : memref<512x128xf32, #tpu.memory_space<vmem>> -> memref<32x128xf32, #tpu.memory_space<vmem>>
        %dma_wait3A_456 = arith.constant 0 : i32
        %dma_wait3A_457 = arith.constant 0 : i32
        %dma_wait3A_458 = tpu.memref_slice %arg4[%dma_wait3A_456, %dma_wait3A_457] : memref<32x1000000xf32, #tpu.memory_space<hbm>> -> memref<32x128xf32, #tpu.memory_space<hbm>>
        %dma_wait3A_459 = arith.constant 0 : i32
        %dma_wait3A_460 = arith.constant 0 : i32
        %dma_wait3A_461 = tpu.memref_slice %arg10[%dma_wait3A_459, %dma_wait3A_460] : memref<512x128xf32, #tpu.memory_space<vmem>> -> memref<32x128xf32, #tpu.memory_space<vmem>>
        %dma_wait3A_462 = arith.constant 0 : i32
        %dma_wait3A_463 = arith.constant 0 : i32
        %dma_wait3A_464 = tpu.memref_slice %arg4[%dma_wait3A_462, %dma_wait3A_463] : memref<32x1000000xf32, #tpu.memory_space<hbm>> -> memref<32x128xf32, #tpu.memory_space<hbm>>
        tpu.wait_dma2 semaphore(%arg12 : memref<!tpu.dma_semaphore, #tpu.memory_space<semaphore_mem>>) src(%dma_wait3A_464 : memref<32x128xf32, #tpu.memory_space<hbm>>) dst(%dma_wait3A_461 : memref<32x128xf32, #tpu.memory_space<vmem>>)
        %scan3A_465 = arith.constant 0 : i32
        scf.yield %scan3A_465 : i32
      }
      %scan3A_34 = arith.constant 16 : i32
      %and3A = arith.constant 127 : i32
      %and3A_35 = vector.broadcast %and3A : i32 to vector<16xi32>
      %and3A_36 = arith.andi %get3A_20, %and3A_35 : vector<16xi32>
      %mul3A_37 = arith.constant 32 : i32
      %mul3A_38 = vector.broadcast %mul3A_37 : i32 to vector<16xi32>
      %mul3A_39 = arith.muli %iota3A, %mul3A_38 : vector<16xi32>
      %add3A_40 = arith.constant 0 : i32
      %add3A_41 = vector.broadcast %add3A_40 : i32 to vector<16xi32>
      %add3A_42 = arith.addi %mul3A_39, %add3A_41 : vector<16xi32>
      %gather3A = tpu.vector_load_idx %arg10[%add3A_42, %and3A_36] : memref<512x128xf32, #tpu.memory_space<vmem>>[vector<16xi32>, vector<16xi32>], vector<16xf32>,
      %mul3A_43 = arith.constant 16 : i32
      %mul3A_44 = arith.muli %scan3A_16, %mul3A_43 : i32
      %swap3A = arith.constant 0 : i32
      %swap3A_45 = arith.index_cast %swap3A : i32 to index
      %swap3A_46 = arith.index_cast %mul3A_44 : i32 to index
      %swap3A_47 = tpu.vector_load %arg11[%swap3A_45, %swap3A_46] {strides = array<i32>} : memref<32x512xf32, #tpu.memory_space<vmem>>, vector<16xf32>,
      tpu.vector_store %arg11[%swap3A_45, %swap3A_46], %gather3A {strides = array<i32>} : memref<32x512xf32, #tpu.memory_space<vmem>>, vector<16xf32>,
      %mul3A_48 = arith.constant 32 : i32
      %mul3A_49 = vector.broadcast %mul3A_48 : i32 to vector<16xi32>
      %mul3A_50 = arith.muli %iota3A, %mul3A_49 : vector<16xi32>
      %add3A_51 = arith.constant 1 : i32
      %add3A_52 = vector.broadcast %add3A_51 : i32 to vector<16xi32>
      %add3A_53 = arith.addi %mul3A_50, %add3A_52 : vector<16xi32>
      %gather3A_54 = tpu.vector_load_idx %arg10[%add3A_53, %and3A_36] : memref<512x128xf32, #tpu.memory_space<vmem>>[vector<16xi32>, vector<16xi32>], vector<16xf32>,
      %mul3A_55 = arith.constant 16 : i32
      %mul3A_56 = arith.muli %scan3A_16, %mul3A_55 : i32
      %swap3A_57 = arith.constant 1 : i32
      %swap3A_58 = arith.index_cast %swap3A_57 : i32 to index
      %swap3A_59 = arith.index_cast %mul3A_56 : i32 to index
      %swap3A_60 = tpu.vector_load %arg11[%swap3A_58, %swap3A_59] {strides = array<i32>} : memref<32x512xf32, #tpu.memory_space<vmem>>, vector<16xf32>,
      tpu.vector_store %arg11[%swap3A_58, %swap3A_59], %gather3A_54 {strides = array<i32>} : memref<32x512xf32, #tpu.memory_space<vmem>>, vector<16xf32>,
      %mul3A_61 = arith.constant 32 : i32
      %mul3A_62 = vector.broadcast %mul3A_61 : i32 to vector<16xi32>
      %mul3A_63 = arith.muli %iota3A, %mul3A_62 : vector<16xi32>
      %add3A_64 = arith.constant 2 : i32
      %add3A_65 = vector.broadcast %add3A_64 : i32 to vector<16xi32>
      %add3A_66 = arith.addi %mul3A_63, %add3A_65 : vector<16xi32>
      %gather3A_67 = tpu.vector_load_idx %arg10[%add3A_66, %and3A_36] : memref<512x128xf32, #tpu.memory_space<vmem>>[vector<16xi32>, vector<16xi32>], vector<16xf32>,
      %mul3A_68 = arith.constant 16 : i32
      %mul3A_69 = arith.muli %scan3A_16, %mul3A_68 : i32
      %swap3A_70 = arith.constant 2 : i32
      %swap3A_71 = arith.index_cast %swap3A_70 : i32 to index
      %swap3A_72 = arith.index_cast %mul3A_69 : i32 to index
      %swap3A_73 = tpu.vector_load %arg11[%swap3A_71, %swap3A_72] {strides = array<i32>} : memref<32x512xf32, #tpu.memory_space<vmem>>, vector<16xf32>,
      tpu.vector_store %arg11[%swap3A_71, %swap3A_72], %gather3A_67 {strides = array<i32>} : memref<32x512xf32, #tpu.memory_space<vmem>>, vector<16xf32>,
      %mul3A_74 = arith.constant 32 : i32
      %mul3A_75 = vector.broadcast %mul3A_74 : i32 to vector<16xi32>
      %mul3A_76 = arith.muli %iota3A, %mul3A_75 : vector<16xi32>
      %add3A_77 = arith.constant 3 : i32
      %add3A_78 = vector.broadcast %add3A_77 : i32 to vector<16xi32>
      %add3A_79 = arith.addi %mul3A_76, %add3A_78 : vector<16xi32>
      %gather3A_80 = tpu.vector_load_idx %arg10[%add3A_79, %and3A_36] : memref<512x128xf32, #tpu.memory_space<vmem>>[vector<16xi32>, vector<16xi32>], vector<16xf32>,
      %mul3A_81 = arith.constant 16 : i32
      %mul3A_82 = arith.muli %scan3A_16, %mul3A_81 : i32
      %swap3A_83 = arith.constant 3 : i32
      %swap3A_84 = arith.index_cast %swap3A_83 : i32 to index
      %swap3A_85 = arith.index_cast %mul3A_82 : i32 to index
      %swap3A_86 = tpu.vector_load %arg11[%swap3A_84, %swap3A_85] {strides = array<i32>} : memref<32x512xf32, #tpu.memory_space<vmem>>, vector<16xf32>,
      tpu.vector_store %arg11[%swap3A_84, %swap3A_85], %gather3A_80 {strides = array<i32>} : memref<32x512xf32, #tpu.memory_space<vmem>>, vector<16xf32>,
      %mul3A_87 = arith.constant 32 : i32
      %mul3A_88 = vector.broadcast %mul3A_87 : i32 to vector<16xi32>
      %mul3A_89 = arith.muli %iota3A, %mul3A_88 : vector<16xi32>
      %add3A_90 = arith.constant 4 : i32
      %add3A_91 = vector.broadcast %add3A_90 : i32 to vector<16xi32>
      %add3A_92 = arith.addi %mul3A_89, %add3A_91 : vector<16xi32>
      %gather3A_93 = tpu.vector_load_idx %arg10[%add3A_92, %and3A_36] : memref<512x128xf32, #tpu.memory_space<vmem>>[vector<16xi32>, vector<16xi32>], vector<16xf32>,
      %mul3A_94 = arith.constant 16 : i32
      %mul3A_95 = arith.muli %scan3A_16, %mul3A_94 : i32
      %swap3A_96 = arith.constant 4 : i32
      %swap3A_97 = arith.index_cast %swap3A_96 : i32 to index
      %swap3A_98 = arith.index_cast %mul3A_95 : i32 to index
      %swap3A_99 = tpu.vector_load %arg11[%swap3A_97, %swap3A_98] {strides = array<i32>} : memref<32x512xf32, #tpu.memory_space<vmem>>, vector<16xf32>,
      tpu.vector_store %arg11[%swap3A_97, %swap3A_98], %gather3A_93 {strides = array<i32>} : memref<32x512xf32, #tpu.memory_space<vmem>>, vector<16xf32>,
      %mul3A_100 = arith.constant 32 : i32
      %mul3A_101 = vector.broadcast %mul3A_100 : i32 to vector<16xi32>
      %mul3A_102 = arith.muli %iota3A, %mul3A_101 : vector<16xi32>
      %add3A_103 = arith.constant 5 : i32
      %add3A_104 = vector.broadcast %add3A_103 : i32 to vector<16xi32>
      %add3A_105 = arith.addi %mul3A_102, %add3A_104 : vector<16xi32>
      %gather3A_106 = tpu.vector_load_idx %arg10[%add3A_105, %and3A_36] : memref<512x128xf32, #tpu.memory_space<vmem>>[vector<16xi32>, vector<16xi32>], vector<16xf32>,
      %mul3A_107 = arith.constant 16 : i32
      %mul3A_108 = arith.muli %scan3A_16, %mul3A_107 : i32
      %swap3A_109 = arith.constant 5 : i32
      %swap3A_110 = arith.index_cast %swap3A_109 : i32 to index
      %swap3A_111 = arith.index_cast %mul3A_108 : i32 to index
      %swap3A_112 = tpu.vector_load %arg11[%swap3A_110, %swap3A_111] {strides = array<i32>} : memref<32x512xf32, #tpu.memory_space<vmem>>, vector<16xf32>,
      tpu.vector_store %arg11[%swap3A_110, %swap3A_111], %gather3A_106 {strides = array<i32>} : memref<32x512xf32, #tpu.memory_space<vmem>>, vector<16xf32>,
      %mul3A_113 = arith.constant 32 : i32
      %mul3A_114 = vector.broadcast %mul3A_113 : i32 to vector<16xi32>
      %mul3A_115 = arith.muli %iota3A, %mul3A_114 : vector<16xi32>
      %add3A_116 = arith.constant 6 : i32
      %add3A_117 = vector.broadcast %add3A_116 : i32 to vector<16xi32>
      %add3A_118 = arith.addi %mul3A_115, %add3A_117 : vector<16xi32>
      %gather3A_119 = tpu.vector_load_idx %arg10[%add3A_118, %and3A_36] : memref<512x128xf32, #tpu.memory_space<vmem>>[vector<16xi32>, vector<16xi32>], vector<16xf32>,
      %mul3A_120 = arith.constant 16 : i32
      %mul3A_121 = arith.muli %scan3A_16, %mul3A_120 : i32
      %swap3A_122 = arith.constant 6 : i32
      %swap3A_123 = arith.index_cast %swap3A_122 : i32 to index
      %swap3A_124 = arith.index_cast %mul3A_121 : i32 to index
      %swap3A_125 = tpu.vector_load %arg11[%swap3A_123, %swap3A_124] {strides = array<i32>} : memref<32x512xf32, #tpu.memory_space<vmem>>, vector<16xf32>,
      tpu.vector_store %arg11[%swap3A_123, %swap3A_124], %gather3A_119 {strides = array<i32>} : memref<32x512xf32, #tpu.memory_space<vmem>>, vector<16xf32>,
      %mul3A_126 = arith.constant 32 : i32
      %mul3A_127 = vector.broadcast %mul3A_126 : i32 to vector<16xi32>
      %mul3A_128 = arith.muli %iota3A, %mul3A_127 : vector<16xi32>
      %add3A_129 = arith.constant 7 : i32
      %add3A_130 = vector.broadcast %add3A_129 : i32 to vector<16xi32>
      %add3A_131 = arith.addi %mul3A_128, %add3A_130 : vector<16xi32>
      %gather3A_132 = tpu.vector_load_idx %arg10[%add3A_131, %and3A_36] : memref<512x128xf32, #tpu.memory_space<vmem>>[vector<16xi32>, vector<16xi32>], vector<16xf32>,
      %mul3A_133 = arith.constant 16 : i32
      %mul3A_134 = arith.muli %scan3A_16, %mul3A_133 : i32
      %swap3A_135 = arith.constant 7 : i32
      %swap3A_136 = arith.index_cast %swap3A_135 : i32 to index
      %swap3A_137 = arith.index_cast %mul3A_134 : i32 to index
      %swap3A_138 = tpu.vector_load %arg11[%swap3A_136, %swap3A_137] {strides = array<i32>} : memref<32x512xf32, #tpu.memory_space<vmem>>, vector<16xf32>,
      tpu.vector_store %arg11[%swap3A_136, %swap3A_137], %gather3A_132 {strides = array<i32>} : memref<32x512xf32, #tpu.memory_space<vmem>>, vector<16xf32>,
      %mul3A_139 = arith.constant 32 : i32
      %mul3A_140 = vector.broadcast %mul3A_139 : i32 to vector<16xi32>
      %mul3A_141 = arith.muli %iota3A, %mul3A_140 : vector<16xi32>
      %add3A_142 = arith.constant 8 : i32
      %add3A_143 = vector.broadcast %add3A_142 : i32 to vector<16xi32>
      %add3A_144 = arith.addi %mul3A_141, %add3A_143 : vector<16xi32>
      %gather3A_145 = tpu.vector_load_idx %arg10[%add3A_144, %and3A_36] : memref<512x128xf32, #tpu.memory_space<vmem>>[vector<16xi32>, vector<16xi32>], vector<16xf32>,
      %mul3A_146 = arith.constant 16 : i32
      %mul3A_147 = arith.muli %scan3A_16, %mul3A_146 : i32
      %swap3A_148 = arith.constant 8 : i32
      %swap3A_149 = arith.index_cast %swap3A_148 : i32 to index
      %swap3A_150 = arith.index_cast %mul3A_147 : i32 to index
      %swap3A_151 = tpu.vector_load %arg11[%swap3A_149, %swap3A_150] {strides = array<i32>} : memref<32x512xf32, #tpu.memory_space<vmem>>, vector<16xf32>,
      tpu.vector_store %arg11[%swap3A_149, %swap3A_150], %gather3A_145 {strides = array<i32>} : memref<32x512xf32, #tpu.memory_space<vmem>>, vector<16xf32>,
      %mul3A_152 = arith.constant 32 : i32
      %mul3A_153 = vector.broadcast %mul3A_152 : i32 to vector<16xi32>
      %mul3A_154 = arith.muli %iota3A, %mul3A_153 : vector<16xi32>
      %add3A_155 = arith.constant 9 : i32
      %add3A_156 = vector.broadcast %add3A_155 : i32 to vector<16xi32>
      %add3A_157 = arith.addi %mul3A_154, %add3A_156 : vector<16xi32>
      %gather3A_158 = tpu.vector_load_idx %arg10[%add3A_157, %and3A_36] : memref<512x128xf32, #tpu.memory_space<vmem>>[vector<16xi32>, vector<16xi32>], vector<16xf32>,
      %mul3A_159 = arith.constant 16 : i32
      %mul3A_160 = arith.muli %scan3A_16, %mul3A_159 : i32
      %swap3A_161 = arith.constant 9 : i32
      %swap3A_162 = arith.index_cast %swap3A_161 : i32 to index
      %swap3A_163 = arith.index_cast %mul3A_160 : i32 to index
      %swap3A_164 = tpu.vector_load %arg11[%swap3A_162, %swap3A_163] {strides = array<i32>} : memref<32x512xf32, #tpu.memory_space<vmem>>, vector<16xf32>,
      tpu.vector_store %arg11[%swap3A_162, %swap3A_163], %gather3A_158 {strides = array<i32>} : memref<32x512xf32, #tpu.memory_space<vmem>>, vector<16xf32>,
      %mul3A_165 = arith.constant 32 : i32
      %mul3A_166 = vector.broadcast %mul3A_165 : i32 to vector<16xi32>
      %mul3A_167 = arith.muli %iota3A, %mul3A_166 : vector<16xi32>
      %add3A_168 = arith.constant 10 : i32
      %add3A_169 = vector.broadcast %add3A_168 : i32 to vector<16xi32>
      %add3A_170 = arith.addi %mul3A_167, %add3A_169 : vector<16xi32>
      %gather3A_171 = tpu.vector_load_idx %arg10[%add3A_170, %and3A_36] : memref<512x128xf32, #tpu.memory_space<vmem>>[vector<16xi32>, vector<16xi32>], vector<16xf32>,
      %mul3A_172 = arith.constant 16 : i32
      %mul3A_173 = arith.muli %scan3A_16, %mul3A_172 : i32
      %swap3A_174 = arith.constant 10 : i32
      %swap3A_175 = arith.index_cast %swap3A_174 : i32 to index
      %swap3A_176 = arith.index_cast %mul3A_173 : i32 to index
      %swap3A_177 = tpu.vector_load %arg11[%swap3A_175, %swap3A_176] {strides = array<i32>} : memref<32x512xf32, #tpu.memory_space<vmem>>, vector<16xf32>,
      tpu.vector_store %arg11[%swap3A_175, %swap3A_176], %gather3A_171 {strides = array<i32>} : memref<32x512xf32, #tpu.memory_space<vmem>>, vector<16xf32>,
      %mul3A_178 = arith.constant 32 : i32
      %mul3A_179 = vector.broadcast %mul3A_178 : i32 to vector<16xi32>
      %mul3A_180 = arith.muli %iota3A, %mul3A_179 : vector<16xi32>
      %add3A_181 = arith.constant 11 : i32
      %add3A_182 = vector.broadcast %add3A_181 : i32 to vector<16xi32>
      %add3A_183 = arith.addi %mul3A_180, %add3A_182 : vector<16xi32>
      %gather3A_184 = tpu.vector_load_idx %arg10[%add3A_183, %and3A_36] : memref<512x128xf32, #tpu.memory_space<vmem>>[vector<16xi32>, vector<16xi32>], vector<16xf32>,
      %mul3A_185 = arith.constant 16 : i32
      %mul3A_186 = arith.muli %scan3A_16, %mul3A_185 : i32
      %swap3A_187 = arith.constant 11 : i32
      %swap3A_188 = arith.index_cast %swap3A_187 : i32 to index
      %swap3A_189 = arith.index_cast %mul3A_186 : i32 to index
      %swap3A_190 = tpu.vector_load %arg11[%swap3A_188, %swap3A_189] {strides = array<i32>} : memref<32x512xf32, #tpu.memory_space<vmem>>, vector<16xf32>,
      tpu.vector_store %arg11[%swap3A_188, %swap3A_189], %gather3A_184 {strides = array<i32>} : memref<32x512xf32, #tpu.memory_space<vmem>>, vector<16xf32>,
      %mul3A_191 = arith.constant 32 : i32
      %mul3A_192 = vector.broadcast %mul3A_191 : i32 to vector<16xi32>
      %mul3A_193 = arith.muli %iota3A, %mul3A_192 : vector<16xi32>
      %add3A_194 = arith.constant 12 : i32
      %add3A_195 = vector.broadcast %add3A_194 : i32 to vector<16xi32>
      %add3A_196 = arith.addi %mul3A_193, %add3A_195 : vector<16xi32>
      %gather3A_197 = tpu.vector_load_idx %arg10[%add3A_196, %and3A_36] : memref<512x128xf32, #tpu.memory_space<vmem>>[vector<16xi32>, vector<16xi32>], vector<16xf32>,
      %mul3A_198 = arith.constant 16 : i32
      %mul3A_199 = arith.muli %scan3A_16, %mul3A_198 : i32
      %swap3A_200 = arith.constant 12 : i32
      %swap3A_201 = arith.index_cast %swap3A_200 : i32 to index
      %swap3A_202 = arith.index_cast %mul3A_199 : i32 to index
      %swap3A_203 = tpu.vector_load %arg11[%swap3A_201, %swap3A_202] {strides = array<i32>} : memref<32x512xf32, #tpu.memory_space<vmem>>, vector<16xf32>,
      tpu.vector_store %arg11[%swap3A_201, %swap3A_202], %gather3A_197 {strides = array<i32>} : memref<32x512xf32, #tpu.memory_space<vmem>>, vector<16xf32>,
      %mul3A_204 = arith.constant 32 : i32
      %mul3A_205 = vector.broadcast %mul3A_204 : i32 to vector<16xi32>
      %mul3A_206 = arith.muli %iota3A, %mul3A_205 : vector<16xi32>
      %add3A_207 = arith.constant 13 : i32
      %add3A_208 = vector.broadcast %add3A_207 : i32 to vector<16xi32>
      %add3A_209 = arith.addi %mul3A_206, %add3A_208 : vector<16xi32>
      %gather3A_210 = tpu.vector_load_idx %arg10[%add3A_209, %and3A_36] : memref<512x128xf32, #tpu.memory_space<vmem>>[vector<16xi32>, vector<16xi32>], vector<16xf32>,
      %mul3A_211 = arith.constant 16 : i32
      %mul3A_212 = arith.muli %scan3A_16, %mul3A_211 : i32
      %swap3A_213 = arith.constant 13 : i32
      %swap3A_214 = arith.index_cast %swap3A_213 : i32 to index
      %swap3A_215 = arith.index_cast %mul3A_212 : i32 to index
      %swap3A_216 = tpu.vector_load %arg11[%swap3A_214, %swap3A_215] {strides = array<i32>} : memref<32x512xf32, #tpu.memory_space<vmem>>, vector<16xf32>,
      tpu.vector_store %arg11[%swap3A_214, %swap3A_215], %gather3A_210 {strides = array<i32>} : memref<32x512xf32, #tpu.memory_space<vmem>>, vector<16xf32>,
      %mul3A_217 = arith.constant 32 : i32
      %mul3A_218 = vector.broadcast %mul3A_217 : i32 to vector<16xi32>
      %mul3A_219 = arith.muli %iota3A, %mul3A_218 : vector<16xi32>
      %add3A_220 = arith.constant 14 : i32
      %add3A_221 = vector.broadcast %add3A_220 : i32 to vector<16xi32>
      %add3A_222 = arith.addi %mul3A_219, %add3A_221 : vector<16xi32>
      %gather3A_223 = tpu.vector_load_idx %arg10[%add3A_222, %and3A_36] : memref<512x128xf32, #tpu.memory_space<vmem>>[vector<16xi32>, vector<16xi32>], vector<16xf32>,
      %mul3A_224 = arith.constant 16 : i32
      %mul3A_225 = arith.muli %scan3A_16, %mul3A_224 : i32
      %swap3A_226 = arith.constant 14 : i32
      %swap3A_227 = arith.index_cast %swap3A_226 : i32 to index
      %swap3A_228 = arith.index_cast %mul3A_225 : i32 to index
      %swap3A_229 = tpu.vector_load %arg11[%swap3A_227, %swap3A_228] {strides = array<i32>} : memref<32x512xf32, #tpu.memory_space<vmem>>, vector<16xf32>,
      tpu.vector_store %arg11[%swap3A_227, %swap3A_228], %gather3A_223 {strides = array<i32>} : memref<32x512xf32, #tpu.memory_space<vmem>>, vector<16xf32>,
      %mul3A_230 = arith.constant 32 : i32
      %mul3A_231 = vector.broadcast %mul3A_230 : i32 to vector<16xi32>
      %mul3A_232 = arith.muli %iota3A, %mul3A_231 : vector<16xi32>
      %add3A_233 = arith.constant 15 : i32
      %add3A_234 = vector.broadcast %add3A_233 : i32 to vector<16xi32>
      %add3A_235 = arith.addi %mul3A_232, %add3A_234 : vector<16xi32>
      %gather3A_236 = tpu.vector_load_idx %arg10[%add3A_235, %and3A_36] : memref<512x128xf32, #tpu.memory_space<vmem>>[vector<16xi32>, vector<16xi32>], vector<16xf32>,
      %mul3A_237 = arith.constant 16 : i32
      %mul3A_238 = arith.muli %scan3A_16, %mul3A_237 : i32
      %swap3A_239 = arith.constant 15 : i32
      %swap3A_240 = arith.index_cast %swap3A_239 : i32 to index
      %swap3A_241 = arith.index_cast %mul3A_238 : i32 to index
      %swap3A_242 = tpu.vector_load %arg11[%swap3A_240, %swap3A_241] {strides = array<i32>} : memref<32x512xf32, #tpu.memory_space<vmem>>, vector<16xf32>,
      tpu.vector_store %arg11[%swap3A_240, %swap3A_241], %gather3A_236 {strides = array<i32>} : memref<32x512xf32, #tpu.memory_space<vmem>>, vector<16xf32>,
      %mul3A_243 = arith.constant 32 : i32
      %mul3A_244 = vector.broadcast %mul3A_243 : i32 to vector<16xi32>
      %mul3A_245 = arith.muli %iota3A, %mul3A_244 : vector<16xi32>
      %add3A_246 = arith.constant 16 : i32
      %add3A_247 = vector.broadcast %add3A_246 : i32 to vector<16xi32>
      %add3A_248 = arith.addi %mul3A_245, %add3A_247 : vector<16xi32>
      %gather3A_249 = tpu.vector_load_idx %arg10[%add3A_248, %and3A_36] : memref<512x128xf32, #tpu.memory_space<vmem>>[vector<16xi32>, vector<16xi32>], vector<16xf32>,
      %mul3A_250 = arith.constant 16 : i32
      %mul3A_251 = arith.muli %scan3A_16, %mul3A_250 : i32
      %swap3A_252 = arith.constant 16 : i32
      %swap3A_253 = arith.index_cast %swap3A_252 : i32 to index
      %swap3A_254 = arith.index_cast %mul3A_251 : i32 to index
      %swap3A_255 = tpu.vector_load %arg11[%swap3A_253, %swap3A_254] {strides = array<i32>} : memref<32x512xf32, #tpu.memory_space<vmem>>, vector<16xf32>,
      tpu.vector_store %arg11[%swap3A_253, %swap3A_254], %gather3A_249 {strides = array<i32>} : memref<32x512xf32, #tpu.memory_space<vmem>>, vector<16xf32>,
      %mul3A_256 = arith.constant 32 : i32
      %mul3A_257 = vector.broadcast %mul3A_256 : i32 to vector<16xi32>
      %mul3A_258 = arith.muli %iota3A, %mul3A_257 : vector<16xi32>
      %add3A_259 = arith.constant 17 : i32
      %add3A_260 = vector.broadcast %add3A_259 : i32 to vector<16xi32>
      %add3A_261 = arith.addi %mul3A_258, %add3A_260 : vector<16xi32>
      %gather3A_262 = tpu.vector_load_idx %arg10[%add3A_261, %and3A_36] : memref<512x128xf32, #tpu.memory_space<vmem>>[vector<16xi32>, vector<16xi32>], vector<16xf32>,
      %mul3A_263 = arith.constant 16 : i32
      %mul3A_264 = arith.muli %scan3A_16, %mul3A_263 : i32
      %swap3A_265 = arith.constant 17 : i32
      %swap3A_266 = arith.index_cast %swap3A_265 : i32 to index
      %swap3A_267 = arith.index_cast %mul3A_264 : i32 to index
      %swap3A_268 = tpu.vector_load %arg11[%swap3A_266, %swap3A_267] {strides = array<i32>} : memref<32x512xf32, #tpu.memory_space<vmem>>, vector<16xf32>,
      tpu.vector_store %arg11[%swap3A_266, %swap3A_267], %gather3A_262 {strides = array<i32>} : memref<32x512xf32, #tpu.memory_space<vmem>>, vector<16xf32>,
      %mul3A_269 = arith.constant 32 : i32
      %mul3A_270 = vector.broadcast %mul3A_269 : i32 to vector<16xi32>
      %mul3A_271 = arith.muli %iota3A, %mul3A_270 : vector<16xi32>
      %add3A_272 = arith.constant 18 : i32
      %add3A_273 = vector.broadcast %add3A_272 : i32 to vector<16xi32>
      %add3A_274 = arith.addi %mul3A_271, %add3A_273 : vector<16xi32>
      %gather3A_275 = tpu.vector_load_idx %arg10[%add3A_274, %and3A_36] : memref<512x128xf32, #tpu.memory_space<vmem>>[vector<16xi32>, vector<16xi32>], vector<16xf32>,
      %mul3A_276 = arith.constant 16 : i32
      %mul3A_277 = arith.muli %scan3A_16, %mul3A_276 : i32
      %swap3A_278 = arith.constant 18 : i32
      %swap3A_279 = arith.index_cast %swap3A_278 : i32 to index
      %swap3A_280 = arith.index_cast %mul3A_277 : i32 to index
      %swap3A_281 = tpu.vector_load %arg11[%swap3A_279, %swap3A_280] {strides = array<i32>} : memref<32x512xf32, #tpu.memory_space<vmem>>, vector<16xf32>,
      tpu.vector_store %arg11[%swap3A_279, %swap3A_280], %gather3A_275 {strides = array<i32>} : memref<32x512xf32, #tpu.memory_space<vmem>>, vector<16xf32>,
      %mul3A_282 = arith.constant 32 : i32
      %mul3A_283 = vector.broadcast %mul3A_282 : i32 to vector<16xi32>
      %mul3A_284 = arith.muli %iota3A, %mul3A_283 : vector<16xi32>
      %add3A_285 = arith.constant 19 : i32
      %add3A_286 = vector.broadcast %add3A_285 : i32 to vector<16xi32>
      %add3A_287 = arith.addi %mul3A_284, %add3A_286 : vector<16xi32>
      %gather3A_288 = tpu.vector_load_idx %arg10[%add3A_287, %and3A_36] : memref<512x128xf32, #tpu.memory_space<vmem>>[vector<16xi32>, vector<16xi32>], vector<16xf32>,
      %mul3A_289 = arith.constant 16 : i32
      %mul3A_290 = arith.muli %scan3A_16, %mul3A_289 : i32
      %swap3A_291 = arith.constant 19 : i32
      %swap3A_292 = arith.index_cast %swap3A_291 : i32 to index
      %swap3A_293 = arith.index_cast %mul3A_290 : i32 to index
      %swap3A_294 = tpu.vector_load %arg11[%swap3A_292, %swap3A_293] {strides = array<i32>} : memref<32x512xf32, #tpu.memory_space<vmem>>, vector<16xf32>,
      tpu.vector_store %arg11[%swap3A_292, %swap3A_293], %gather3A_288 {strides = array<i32>} : memref<32x512xf32, #tpu.memory_space<vmem>>, vector<16xf32>,
      %mul3A_295 = arith.constant 32 : i32
      %mul3A_296 = vector.broadcast %mul3A_295 : i32 to vector<16xi32>
      %mul3A_297 = arith.muli %iota3A, %mul3A_296 : vector<16xi32>
      %add3A_298 = arith.constant 20 : i32
      %add3A_299 = vector.broadcast %add3A_298 : i32 to vector<16xi32>
      %add3A_300 = arith.addi %mul3A_297, %add3A_299 : vector<16xi32>
      %gather3A_301 = tpu.vector_load_idx %arg10[%add3A_300, %and3A_36] : memref<512x128xf32, #tpu.memory_space<vmem>>[vector<16xi32>, vector<16xi32>], vector<16xf32>,
      %mul3A_302 = arith.constant 16 : i32
      %mul3A_303 = arith.muli %scan3A_16, %mul3A_302 : i32
      %swap3A_304 = arith.constant 20 : i32
      %swap3A_305 = arith.index_cast %swap3A_304 : i32 to index
      %swap3A_306 = arith.index_cast %mul3A_303 : i32 to index
      %swap3A_307 = tpu.vector_load %arg11[%swap3A_305, %swap3A_306] {strides = array<i32>} : memref<32x512xf32, #tpu.memory_space<vmem>>, vector<16xf32>,
      tpu.vector_store %arg11[%swap3A_305, %swap3A_306], %gather3A_301 {strides = array<i32>} : memref<32x512xf32, #tpu.memory_space<vmem>>, vector<16xf32>,
      %mul3A_308 = arith.constant 32 : i32
      %mul3A_309 = vector.broadcast %mul3A_308 : i32 to vector<16xi32>
      %mul3A_310 = arith.muli %iota3A, %mul3A_309 : vector<16xi32>
      %add3A_311 = arith.constant 21 : i32
      %add3A_312 = vector.broadcast %add3A_311 : i32 to vector<16xi32>
      %add3A_313 = arith.addi %mul3A_310, %add3A_312 : vector<16xi32>
      %gather3A_314 = tpu.vector_load_idx %arg10[%add3A_313, %and3A_36] : memref<512x128xf32, #tpu.memory_space<vmem>>[vector<16xi32>, vector<16xi32>], vector<16xf32>,
      %mul3A_315 = arith.constant 16 : i32
      %mul3A_316 = arith.muli %scan3A_16, %mul3A_315 : i32
      %swap3A_317 = arith.constant 21 : i32
      %swap3A_318 = arith.index_cast %swap3A_317 : i32 to index
      %swap3A_319 = arith.index_cast %mul3A_316 : i32 to index
      %swap3A_320 = tpu.vector_load %arg11[%swap3A_318, %swap3A_319] {strides = array<i32>} : memref<32x512xf32, #tpu.memory_space<vmem>>, vector<16xf32>,
      tpu.vector_store %arg11[%swap3A_318, %swap3A_319], %gather3A_314 {strides = array<i32>} : memref<32x512xf32, #tpu.memory_space<vmem>>, vector<16xf32>,
      %mul3A_321 = arith.constant 32 : i32
      %mul3A_322 = vector.broadcast %mul3A_321 : i32 to vector<16xi32>
      %mul3A_323 = arith.muli %iota3A, %mul3A_322 : vector<16xi32>
      %add3A_324 = arith.constant 22 : i32
      %add3A_325 = vector.broadcast %add3A_324 : i32 to vector<16xi32>
      %add3A_326 = arith.addi %mul3A_323, %add3A_325 : vector<16xi32>
      %gather3A_327 = tpu.vector_load_idx %arg10[%add3A_326, %and3A_36] : memref<512x128xf32, #tpu.memory_space<vmem>>[vector<16xi32>, vector<16xi32>], vector<16xf32>,
      %mul3A_328 = arith.constant 16 : i32
      %mul3A_329 = arith.muli %scan3A_16, %mul3A_328 : i32
      %swap3A_330 = arith.constant 22 : i32
      %swap3A_331 = arith.index_cast %swap3A_330 : i32 to index
      %swap3A_332 = arith.index_cast %mul3A_329 : i32 to index
      %swap3A_333 = tpu.vector_load %arg11[%swap3A_331, %swap3A_332] {strides = array<i32>} : memref<32x512xf32, #tpu.memory_space<vmem>>, vector<16xf32>,
      tpu.vector_store %arg11[%swap3A_331, %swap3A_332], %gather3A_327 {strides = array<i32>} : memref<32x512xf32, #tpu.memory_space<vmem>>, vector<16xf32>,
      %mul3A_334 = arith.constant 32 : i32
      %mul3A_335 = vector.broadcast %mul3A_334 : i32 to vector<16xi32>
      %mul3A_336 = arith.muli %iota3A, %mul3A_335 : vector<16xi32>
      %add3A_337 = arith.constant 23 : i32
      %add3A_338 = vector.broadcast %add3A_337 : i32 to vector<16xi32>
      %add3A_339 = arith.addi %mul3A_336, %add3A_338 : vector<16xi32>
      %gather3A_340 = tpu.vector_load_idx %arg10[%add3A_339, %and3A_36] : memref<512x128xf32, #tpu.memory_space<vmem>>[vector<16xi32>, vector<16xi32>], vector<16xf32>,
      %mul3A_341 = arith.constant 16 : i32
      %mul3A_342 = arith.muli %scan3A_16, %mul3A_341 : i32
      %swap3A_343 = arith.constant 23 : i32
      %swap3A_344 = arith.index_cast %swap3A_343 : i32 to index
      %swap3A_345 = arith.index_cast %mul3A_342 : i32 to index
      %swap3A_346 = tpu.vector_load %arg11[%swap3A_344, %swap3A_345] {strides = array<i32>} : memref<32x512xf32, #tpu.memory_space<vmem>>, vector<16xf32>,
      tpu.vector_store %arg11[%swap3A_344, %swap3A_345], %gather3A_340 {strides = array<i32>} : memref<32x512xf32, #tpu.memory_space<vmem>>, vector<16xf32>,
      %mul3A_347 = arith.constant 32 : i32
      %mul3A_348 = vector.broadcast %mul3A_347 : i32 to vector<16xi32>
      %mul3A_349 = arith.muli %iota3A, %mul3A_348 : vector<16xi32>
      %add3A_350 = arith.constant 24 : i32
      %add3A_351 = vector.broadcast %add3A_350 : i32 to vector<16xi32>
      %add3A_352 = arith.addi %mul3A_349, %add3A_351 : vector<16xi32>
      %gather3A_353 = tpu.vector_load_idx %arg10[%add3A_352, %and3A_36] : memref<512x128xf32, #tpu.memory_space<vmem>>[vector<16xi32>, vector<16xi32>], vector<16xf32>,
      %mul3A_354 = arith.constant 16 : i32
      %mul3A_355 = arith.muli %scan3A_16, %mul3A_354 : i32
      %swap3A_356 = arith.constant 24 : i32
      %swap3A_357 = arith.index_cast %swap3A_356 : i32 to index
      %swap3A_358 = arith.index_cast %mul3A_355 : i32 to index
      %swap3A_359 = tpu.vector_load %arg11[%swap3A_357, %swap3A_358] {strides = array<i32>} : memref<32x512xf32, #tpu.memory_space<vmem>>, vector<16xf32>,
      tpu.vector_store %arg11[%swap3A_357, %swap3A_358], %gather3A_353 {strides = array<i32>} : memref<32x512xf32, #tpu.memory_space<vmem>>, vector<16xf32>,
      %mul3A_360 = arith.constant 32 : i32
      %mul3A_361 = vector.broadcast %mul3A_360 : i32 to vector<16xi32>
      %mul3A_362 = arith.muli %iota3A, %mul3A_361 : vector<16xi32>
      %add3A_363 = arith.constant 25 : i32
      %add3A_364 = vector.broadcast %add3A_363 : i32 to vector<16xi32>
      %add3A_365 = arith.addi %mul3A_362, %add3A_364 : vector<16xi32>
      %gather3A_366 = tpu.vector_load_idx %arg10[%add3A_365, %and3A_36] : memref<512x128xf32, #tpu.memory_space<vmem>>[vector<16xi32>, vector<16xi32>], vector<16xf32>,
      %mul3A_367 = arith.constant 16 : i32
      %mul3A_368 = arith.muli %scan3A_16, %mul3A_367 : i32
      %swap3A_369 = arith.constant 25 : i32
      %swap3A_370 = arith.index_cast %swap3A_369 : i32 to index
      %swap3A_371 = arith.index_cast %mul3A_368 : i32 to index
      %swap3A_372 = tpu.vector_load %arg11[%swap3A_370, %swap3A_371] {strides = array<i32>} : memref<32x512xf32, #tpu.memory_space<vmem>>, vector<16xf32>,
      tpu.vector_store %arg11[%swap3A_370, %swap3A_371], %gather3A_366 {strides = array<i32>} : memref<32x512xf32, #tpu.memory_space<vmem>>, vector<16xf32>,
      %mul3A_373 = arith.constant 32 : i32
      %mul3A_374 = vector.broadcast %mul3A_373 : i32 to vector<16xi32>
      %mul3A_375 = arith.muli %iota3A, %mul3A_374 : vector<16xi32>
      %add3A_376 = arith.constant 26 : i32
      %add3A_377 = vector.broadcast %add3A_376 : i32 to vector<16xi32>
      %add3A_378 = arith.addi %mul3A_375, %add3A_377 : vector<16xi32>
      %gather3A_379 = tpu.vector_load_idx %arg10[%add3A_378, %and3A_36] : memref<512x128xf32, #tpu.memory_space<vmem>>[vector<16xi32>, vector<16xi32>], vector<16xf32>,
      %mul3A_380 = arith.constant 16 : i32
      %mul3A_381 = arith.muli %scan3A_16, %mul3A_380 : i32
      %swap3A_382 = arith.constant 26 : i32
      %swap3A_383 = arith.index_cast %swap3A_382 : i32 to index
      %swap3A_384 = arith.index_cast %mul3A_381 : i32 to index
      %swap3A_385 = tpu.vector_load %arg11[%swap3A_383, %swap3A_384] {strides = array<i32>} : memref<32x512xf32, #tpu.memory_space<vmem>>, vector<16xf32>,
      tpu.vector_store %arg11[%swap3A_383, %swap3A_384], %gather3A_379 {strides = array<i32>} : memref<32x512xf32, #tpu.memory_space<vmem>>, vector<16xf32>,
      %mul3A_386 = arith.constant 32 : i32
      %mul3A_387 = vector.broadcast %mul3A_386 : i32 to vector<16xi32>
      %mul3A_388 = arith.muli %iota3A, %mul3A_387 : vector<16xi32>
      %add3A_389 = arith.constant 27 : i32
      %add3A_390 = vector.broadcast %add3A_389 : i32 to vector<16xi32>
      %add3A_391 = arith.addi %mul3A_388, %add3A_390 : vector<16xi32>
      %gather3A_392 = tpu.vector_load_idx %arg10[%add3A_391, %and3A_36] : memref<512x128xf32, #tpu.memory_space<vmem>>[vector<16xi32>, vector<16xi32>], vector<16xf32>,
      %mul3A_393 = arith.constant 16 : i32
      %mul3A_394 = arith.muli %scan3A_16, %mul3A_393 : i32
      %swap3A_395 = arith.constant 27 : i32
      %swap3A_396 = arith.index_cast %swap3A_395 : i32 to index
      %swap3A_397 = arith.index_cast %mul3A_394 : i32 to index
      %swap3A_398 = tpu.vector_load %arg11[%swap3A_396, %swap3A_397] {strides = array<i32>} : memref<32x512xf32, #tpu.memory_space<vmem>>, vector<16xf32>,
      tpu.vector_store %arg11[%swap3A_396, %swap3A_397], %gather3A_392 {strides = array<i32>} : memref<32x512xf32, #tpu.memory_space<vmem>>, vector<16xf32>,
      %mul3A_399 = arith.constant 32 : i32
      %mul3A_400 = vector.broadcast %mul3A_399 : i32 to vector<16xi32>
      %mul3A_401 = arith.muli %iota3A, %mul3A_400 : vector<16xi32>
      %add3A_402 = arith.constant 28 : i32
      %add3A_403 = vector.broadcast %add3A_402 : i32 to vector<16xi32>
      %add3A_404 = arith.addi %mul3A_401, %add3A_403 : vector<16xi32>
      %gather3A_405 = tpu.vector_load_idx %arg10[%add3A_404, %and3A_36] : memref<512x128xf32, #tpu.memory_space<vmem>>[vector<16xi32>, vector<16xi32>], vector<16xf32>,
      %mul3A_406 = arith.constant 16 : i32
      %mul3A_407 = arith.muli %scan3A_16, %mul3A_406 : i32
      %swap3A_408 = arith.constant 28 : i32
      %swap3A_409 = arith.index_cast %swap3A_408 : i32 to index
      %swap3A_410 = arith.index_cast %mul3A_407 : i32 to index
      %swap3A_411 = tpu.vector_load %arg11[%swap3A_409, %swap3A_410] {strides = array<i32>} : memref<32x512xf32, #tpu.memory_space<vmem>>, vector<16xf32>,
      tpu.vector_store %arg11[%swap3A_409, %swap3A_410], %gather3A_405 {strides = array<i32>} : memref<32x512xf32, #tpu.memory_space<vmem>>, vector<16xf32>,
      %mul3A_412 = arith.constant 32 : i32
      %mul3A_413 = vector.broadcast %mul3A_412 : i32 to vector<16xi32>
      %mul3A_414 = arith.muli %iota3A, %mul3A_413 : vector<16xi32>
      %add3A_415 = arith.constant 29 : i32
      %add3A_416 = vector.broadcast %add3A_415 : i32 to vector<16xi32>
      %add3A_417 = arith.addi %mul3A_414, %add3A_416 : vector<16xi32>
      %gather3A_418 = tpu.vector_load_idx %arg10[%add3A_417, %and3A_36] : memref<512x128xf32, #tpu.memory_space<vmem>>[vector<16xi32>, vector<16xi32>], vector<16xf32>,
      %mul3A_419 = arith.constant 16 : i32
      %mul3A_420 = arith.muli %scan3A_16, %mul3A_419 : i32
      %swap3A_421 = arith.constant 29 : i32
      %swap3A_422 = arith.index_cast %swap3A_421 : i32 to index
      %swap3A_423 = arith.index_cast %mul3A_420 : i32 to index
      %swap3A_424 = tpu.vector_load %arg11[%swap3A_422, %swap3A_423] {strides = array<i32>} : memref<32x512xf32, #tpu.memory_space<vmem>>, vector<16xf32>,
      tpu.vector_store %arg11[%swap3A_422, %swap3A_423], %gather3A_418 {strides = array<i32>} : memref<32x512xf32, #tpu.memory_space<vmem>>, vector<16xf32>,
      %mul3A_425 = arith.constant 32 : i32
      %mul3A_426 = vector.broadcast %mul3A_425 : i32 to vector<16xi32>
      %mul3A_427 = arith.muli %iota3A, %mul3A_426 : vector<16xi32>
      %add3A_428 = arith.constant 30 : i32
      %add3A_429 = vector.broadcast %add3A_428 : i32 to vector<16xi32>
      %add3A_430 = arith.addi %mul3A_427, %add3A_429 : vector<16xi32>
      %gather3A_431 = tpu.vector_load_idx %arg10[%add3A_430, %and3A_36] : memref<512x128xf32, #tpu.memory_space<vmem>>[vector<16xi32>, vector<16xi32>], vector<16xf32>,
      %mul3A_432 = arith.constant 16 : i32
      %mul3A_433 = arith.muli %scan3A_16, %mul3A_432 : i32
      %swap3A_434 = arith.constant 30 : i32
      %swap3A_435 = arith.index_cast %swap3A_434 : i32 to index
      %swap3A_436 = arith.index_cast %mul3A_433 : i32 to index
      %swap3A_437 = tpu.vector_load %arg11[%swap3A_435, %swap3A_436] {strides = array<i32>} : memref<32x512xf32, #tpu.memory_space<vmem>>, vector<16xf32>,
      tpu.vector_store %arg11[%swap3A_435, %swap3A_436], %gather3A_431 {strides = array<i32>} : memref<32x512xf32, #tpu.memory_space<vmem>>, vector<16xf32>,
      %mul3A_438 = arith.constant 32 : i32
      %mul3A_439 = vector.broadcast %mul3A_438 : i32 to vector<16xi32>
      %mul3A_440 = arith.muli %iota3A, %mul3A_439 : vector<16xi32>
      %add3A_441 = arith.constant 31 : i32
      %add3A_442 = vector.broadcast %add3A_441 : i32 to vector<16xi32>
      %add3A_443 = arith.addi %mul3A_440, %add3A_442 : vector<16xi32>
      %gather3A_444 = tpu.vector_load_idx %arg10[%add3A_443, %and3A_36] : memref<512x128xf32, #tpu.memory_space<vmem>>[vector<16xi32>, vector<16xi32>], vector<16xf32>,
      %mul3A_445 = arith.constant 16 : i32
      %mul3A_446 = arith.muli %scan3A_16, %mul3A_445 : i32
      %swap3A_447 = arith.constant 31 : i32
      %swap3A_448 = arith.index_cast %swap3A_447 : i32 to index
      %swap3A_449 = arith.index_cast %mul3A_446 : i32 to index
      %swap3A_450 = tpu.vector_load %arg11[%swap3A_448, %swap3A_449] {strides = array<i32>} : memref<32x512xf32, #tpu.memory_space<vmem>>, vector<16xf32>,
      tpu.vector_store %arg11[%swap3A_448, %swap3A_449], %gather3A_444 {strides = array<i32>} : memref<32x512xf32, #tpu.memory_space<vmem>>, vector<16xf32>,
      %scan3A_451 = arith.constant 0 : i32
      scf.yield %scan3A_451 : i32
    }
    %scan3A_8 = arith.constant 32 : i32
    "tpu.region"() ({
      %run_scoped3A = tpu.sem_alloc : memref<!tpu.dma_semaphore, #tpu.memory_space<semaphore_mem>>
      %dma_start3A = arith.constant 0 : i32
      %dma_start3A_16 = tpu.memref_slice %arg6[%dma_start3A, %mul3A_2] : memref<32x16384xf32, #tpu.memory_space<hbm>> -> memref<32x512xf32, #tpu.memory_space<hbm>>
      %dma_start3A_17 = arith.constant 0 : i32
      %dma_start3A_18 = tpu.memref_slice %arg6[%dma_start3A_17, %mul3A_2] : memref<32x16384xf32, #tpu.memory_space<hbm>> -> memref<32x512xf32, #tpu.memory_space<hbm>>
      tpu.enqueue_dma source(%arg11 : memref<32x512xf32, #tpu.memory_space<vmem>>) target(%dma_start3A_18 : memref<32x512xf32, #tpu.memory_space<hbm>>) target_semaphore(%run_scoped3A : memref<!tpu.dma_semaphore, #tpu.memory_space<semaphore_mem>>)
      %dma_wait3A = arith.constant 0 : i32
      %dma_wait3A_19 = tpu.memref_slice %arg6[%dma_wait3A, %mul3A_2] : memref<32x16384xf32, #tpu.memory_space<hbm>> -> memref<32x512xf32, #tpu.memory_space<hbm>>
      %dma_wait3A_20 = arith.constant 0 : i32
      %dma_wait3A_21 = tpu.memref_slice %arg6[%dma_wait3A_20, %mul3A_2] : memref<32x16384xf32, #tpu.memory_space<hbm>> -> memref<32x512xf32, #tpu.memory_space<hbm>>
      tpu.wait_dma2 semaphore(%run_scoped3A : memref<!tpu.dma_semaphore, #tpu.memory_space<semaphore_mem>>) src(%arg11 : memref<32x512xf32, #tpu.memory_space<vmem>>) dst(%dma_wait3A_21 : memref<32x512xf32, #tpu.memory_space<hbm>>)
      tpu.yield
    }) : () -> ()
    %scan3A_9 = arith.constant 0 : i32
    %scan3A_10 = arith.constant 0 : i32
    %scan3A_11 = arith.constant 32 : i32
    %scan3A_12 = arith.addi %scan3A_10, %scan3A_11 : i32
    %scan3A_13 = arith.constant 1 : i32
    %scan3A_14 = scf.for %scan3A_16 = %scan3A_10 to %scan3A_12 step %scan3A_13 iter_args(%scan3A_17 = %scan3A_9) -> (i32)  : i32 {
      %mul3A_18 = arith.constant 16 : i32
      %mul3A_19 = arith.muli %scan3A_16, %mul3A_18 : i32
      %get3A = arith.index_cast %mul3A_19 : i32 to index
      %get3A_20 = tpu.vector_load %arg9[%get3A] {strides = array<i32>} : memref<512xi32, #tpu.memory_space<vmem>>, vector<16xi32>,
      %scan3A_21 = arith.constant 0 : i32
      %scan3A_22 = arith.constant 0 : i32
      %scan3A_23 = arith.constant 16 : i32
      %scan3A_24 = arith.addi %scan3A_22, %scan3A_23 : i32
      %scan3A_25 = arith.constant 1 : i32
      %scan3A_26 = scf.for %scan3A_452 = %scan3A_22 to %scan3A_24 step %scan3A_25 iter_args(%scan3A_453 = %scan3A_21) -> (i32)  : i32 {
        %eq3A = vector.broadcast %scan3A_452 : i32 to vector<16xi32>
        %eq3A_454 = arith.cmpi eq, %iota3A, %eq3A : vector<16xi32>
        %jit3A = arith.constant 0 : i32
        %broadcast_in_dim3A = vector.broadcast %jit3A : i32 to vector<16xi32>
        %select_n3A = arith.select %eq3A_454, %get3A_20, %broadcast_in_dim3A : vector<16xi1>, vector<16xi32>
        %reduce_max3A = arith.constant true
        %reduce_max3A_455 = vector.broadcast %reduce_max3A : i1 to vector<16xi1>
        %reduce_max3A_456 = arith.constant -2147483648 : i32
        %reduce_max3A_457 = vector.broadcast %reduce_max3A_456 : i32 to vector<16xi32>
        %reduce_max3A_458 = arith.xori %select_n3A, %reduce_max3A_457 : vector<16xi32>
        %reduce_max3A_459 = tpu.scan <max>, %reduce_max3A_458 masked %reduce_max3A_455 : vector<16xi32>, vector<16xi1> -> vector<16xi32>
        %reduce_max3A_460 = arith.xori %reduce_max3A_459, %reduce_max3A_457 : vector<16xi32>
        %reduce_max3A_461 = vector.extract %reduce_max3A_460[15] : i32 from vector<16xi32>
        %jit3A_462 = arith.constant 128 : i32
        %div3A = arith.divsi %reduce_max3A_461, %jit3A_462 : i32
        %sign3A = arith.constant 0 : i32
        %sign3A_463 = arith.cmpi sgt, %reduce_max3A_461, %sign3A : i32
        %sign3A_464 = arith.extui %sign3A_463 : i1 to i32
        %sign3A_465 = arith.constant 0 : i32
        %sign3A_466 = arith.cmpi slt, %reduce_max3A_461, %sign3A_465 : i32
        %sign3A_467 = arith.extui %sign3A_466 : i1 to i32
        %sign3A_468 = arith.subi %sign3A_464, %sign3A_467 : i32
        %sign3A_469 = arith.constant 0 : i32
        %sign3A_470 = arith.cmpi sgt, %jit3A_462, %sign3A_469 : i32
        %sign3A_471 = arith.extui %sign3A_470 : i1 to i32
        %sign3A_472 = arith.constant 0 : i32
        %sign3A_473 = arith.cmpi slt, %jit3A_462, %sign3A_472 : i32
        %sign3A_474 = arith.extui %sign3A_473 : i1 to i32
        %sign3A_475 = arith.subi %sign3A_471, %sign3A_474 : i32
        %ne3A = arith.cmpi ne, %sign3A_468, %sign3A_475 : i32
        %rem3A = arith.remsi %reduce_max3A_461, %jit3A_462 : i32
        %ne3A_476 = arith.constant 0 : i32
        %ne3A_477 = arith.cmpi ne, %rem3A, %ne3A_476 : i32
        %and3A_478 = arith.andi %ne3A, %ne3A_477 : i1
        %sub3A = arith.constant 1 : i32
        %sub3A_479 = arith.subi %div3A, %sub3A : i32
        %select_n3A_480 = arith.select %and3A_478, %sub3A_479, %div3A : i32
        %mul3A_481 = arith.constant 128 : i32
        %mul3A_482 = arith.muli %select_n3A_480, %mul3A_481 : i32
        %multiple_of3A = tpu.assume_multiple %mul3A_482, 128 : i32
        %mul3A_483 = arith.constant 32 : i32
        %mul3A_484 = arith.muli %scan3A_452, %mul3A_483 : i32
        %dma_start3A = arith.constant 0 : i32
        %dma_start3A_485 = tpu.memref_slice %arg10[%mul3A_484, %dma_start3A] : memref<512x128xf32, #tpu.memory_space<vmem>> -> memref<32x128xf32, #tpu.memory_space<vmem>>
        %dma_start3A_486 = arith.constant 0 : i32
        %dma_start3A_487 = tpu.memref_slice %arg5[%dma_start3A_486, %multiple_of3A] : memref<32x1000000xf32, #tpu.memory_space<hbm>> -> memref<32x128xf32, #tpu.memory_space<hbm>>
        %dma_start3A_488 = arith.constant 0 : i32
        %dma_start3A_489 = tpu.memref_slice %arg10[%mul3A_484, %dma_start3A_488] : memref<512x128xf32, #tpu.memory_space<vmem>> -> memref<32x128xf32, #tpu.memory_space<vmem>>
        %dma_start3A_490 = arith.constant 0 : i32
        %dma_start3A_491 = tpu.memref_slice %arg5[%dma_start3A_490, %multiple_of3A] : memref<32x1000000xf32, #tpu.memory_space<hbm>> -> memref<32x128xf32, #tpu.memory_space<hbm>>
        tpu.enqueue_dma source(%dma_start3A_491 : memref<32x128xf32, #tpu.memory_space<hbm>>) target(%dma_start3A_489 : memref<32x128xf32, #tpu.memory_space<vmem>>) target_semaphore(%arg12 : memref<!tpu.dma_semaphore, #tpu.memory_space<semaphore_mem>>)
        %scan3A_492 = arith.constant 0 : i32
        scf.yield %scan3A_492 : i32
      }
      %scan3A_27 = arith.constant 16 : i32
      %scan3A_28 = arith.constant 0 : i32
      %scan3A_29 = arith.constant 0 : i32
      %scan3A_30 = arith.constant 16 : i32
      %scan3A_31 = arith.addi %scan3A_29, %scan3A_30 : i32
      %scan3A_32 = arith.constant 1 : i32
      %scan3A_33 = scf.for %scan3A_452 = %scan3A_29 to %scan3A_31 step %scan3A_32 iter_args(%scan3A_453 = %scan3A_28) -> (i32)  : i32 {
        %dma_wait3A = arith.constant 0 : i32
        %dma_wait3A_454 = arith.constant 0 : i32
        %dma_wait3A_455 = tpu.memref_slice %arg10[%dma_wait3A, %dma_wait3A_454] : memref<512x128xf32, #tpu.memory_space<vmem>> -> memref<32x128xf32, #tpu.memory_space<vmem>>
        %dma_wait3A_456 = arith.constant 0 : i32
        %dma_wait3A_457 = arith.constant 0 : i32
        %dma_wait3A_458 = tpu.memref_slice %arg5[%dma_wait3A_456, %dma_wait3A_457] : memref<32x1000000xf32, #tpu.memory_space<hbm>> -> memref<32x128xf32, #tpu.memory_space<hbm>>
        %dma_wait3A_459 = arith.constant 0 : i32
        %dma_wait3A_460 = arith.constant 0 : i32
        %dma_wait3A_461 = tpu.memref_slice %arg10[%dma_wait3A_459, %dma_wait3A_460] : memref<512x128xf32, #tpu.memory_space<vmem>> -> memref<32x128xf32, #tpu.memory_space<vmem>>
        %dma_wait3A_462 = arith.constant 0 : i32
        %dma_wait3A_463 = arith.constant 0 : i32
        %dma_wait3A_464 = tpu.memref_slice %arg5[%dma_wait3A_462, %dma_wait3A_463] : memref<32x1000000xf32, #tpu.memory_space<hbm>> -> memref<32x128xf32, #tpu.memory_space<hbm>>
        tpu.wait_dma2 semaphore(%arg12 : memref<!tpu.dma_semaphore, #tpu.memory_space<semaphore_mem>>) src(%dma_wait3A_464 : memref<32x128xf32, #tpu.memory_space<hbm>>) dst(%dma_wait3A_461 : memref<32x128xf32, #tpu.memory_space<vmem>>)
        %scan3A_465 = arith.constant 0 : i32
        scf.yield %scan3A_465 : i32
      }
      %scan3A_34 = arith.constant 16 : i32
      %and3A = arith.constant 127 : i32
      %and3A_35 = vector.broadcast %and3A : i32 to vector<16xi32>
      %and3A_36 = arith.andi %get3A_20, %and3A_35 : vector<16xi32>
      %mul3A_37 = arith.constant 32 : i32
      %mul3A_38 = vector.broadcast %mul3A_37 : i32 to vector<16xi32>
      %mul3A_39 = arith.muli %iota3A, %mul3A_38 : vector<16xi32>
      %add3A_40 = arith.constant 0 : i32
      %add3A_41 = vector.broadcast %add3A_40 : i32 to vector<16xi32>
      %add3A_42 = arith.addi %mul3A_39, %add3A_41 : vector<16xi32>
      %gather3A = tpu.vector_load_idx %arg10[%add3A_42, %and3A_36] : memref<512x128xf32, #tpu.memory_space<vmem>>[vector<16xi32>, vector<16xi32>], vector<16xf32>,
      %mul3A_43 = arith.constant 16 : i32
      %mul3A_44 = arith.muli %scan3A_16, %mul3A_43 : i32
      %swap3A = arith.constant 0 : i32
      %swap3A_45 = arith.index_cast %swap3A : i32 to index
      %swap3A_46 = arith.index_cast %mul3A_44 : i32 to index
      %swap3A_47 = tpu.vector_load %arg11[%swap3A_45, %swap3A_46] {strides = array<i32>} : memref<32x512xf32, #tpu.memory_space<vmem>>, vector<16xf32>,
      tpu.vector_store %arg11[%swap3A_45, %swap3A_46], %gather3A {strides = array<i32>} : memref<32x512xf32, #tpu.memory_space<vmem>>, vector<16xf32>,
      %mul3A_48 = arith.constant 32 : i32
      %mul3A_49 = vector.broadcast %mul3A_48 : i32 to vector<16xi32>
      %mul3A_50 = arith.muli %iota3A, %mul3A_49 : vector<16xi32>
      %add3A_51 = arith.constant 1 : i32
      %add3A_52 = vector.broadcast %add3A_51 : i32 to vector<16xi32>
      %add3A_53 = arith.addi %mul3A_50, %add3A_52 : vector<16xi32>
      %gather3A_54 = tpu.vector_load_idx %arg10[%add3A_53, %and3A_36] : memref<512x128xf32, #tpu.memory_space<vmem>>[vector<16xi32>, vector<16xi32>], vector<16xf32>,
      %mul3A_55 = arith.constant 16 : i32
      %mul3A_56 = arith.muli %scan3A_16, %mul3A_55 : i32
      %swap3A_57 = arith.constant 1 : i32
      %swap3A_58 = arith.index_cast %swap3A_57 : i32 to index
      %swap3A_59 = arith.index_cast %mul3A_56 : i32 to index
      %swap3A_60 = tpu.vector_load %arg11[%swap3A_58, %swap3A_59] {strides = array<i32>} : memref<32x512xf32, #tpu.memory_space<vmem>>, vector<16xf32>,
      tpu.vector_store %arg11[%swap3A_58, %swap3A_59], %gather3A_54 {strides = array<i32>} : memref<32x512xf32, #tpu.memory_space<vmem>>, vector<16xf32>,
      %mul3A_61 = arith.constant 32 : i32
      %mul3A_62 = vector.broadcast %mul3A_61 : i32 to vector<16xi32>
      %mul3A_63 = arith.muli %iota3A, %mul3A_62 : vector<16xi32>
      %add3A_64 = arith.constant 2 : i32
      %add3A_65 = vector.broadcast %add3A_64 : i32 to vector<16xi32>
      %add3A_66 = arith.addi %mul3A_63, %add3A_65 : vector<16xi32>
      %gather3A_67 = tpu.vector_load_idx %arg10[%add3A_66, %and3A_36] : memref<512x128xf32, #tpu.memory_space<vmem>>[vector<16xi32>, vector<16xi32>], vector<16xf32>,
      %mul3A_68 = arith.constant 16 : i32
      %mul3A_69 = arith.muli %scan3A_16, %mul3A_68 : i32
      %swap3A_70 = arith.constant 2 : i32
      %swap3A_71 = arith.index_cast %swap3A_70 : i32 to index
      %swap3A_72 = arith.index_cast %mul3A_69 : i32 to index
      %swap3A_73 = tpu.vector_load %arg11[%swap3A_71, %swap3A_72] {strides = array<i32>} : memref<32x512xf32, #tpu.memory_space<vmem>>, vector<16xf32>,
      tpu.vector_store %arg11[%swap3A_71, %swap3A_72], %gather3A_67 {strides = array<i32>} : memref<32x512xf32, #tpu.memory_space<vmem>>, vector<16xf32>,
      %mul3A_74 = arith.constant 32 : i32
      %mul3A_75 = vector.broadcast %mul3A_74 : i32 to vector<16xi32>
      %mul3A_76 = arith.muli %iota3A, %mul3A_75 : vector<16xi32>
      %add3A_77 = arith.constant 3 : i32
      %add3A_78 = vector.broadcast %add3A_77 : i32 to vector<16xi32>
      %add3A_79 = arith.addi %mul3A_76, %add3A_78 : vector<16xi32>
      %gather3A_80 = tpu.vector_load_idx %arg10[%add3A_79, %and3A_36] : memref<512x128xf32, #tpu.memory_space<vmem>>[vector<16xi32>, vector<16xi32>], vector<16xf32>,
      %mul3A_81 = arith.constant 16 : i32
      %mul3A_82 = arith.muli %scan3A_16, %mul3A_81 : i32
      %swap3A_83 = arith.constant 3 : i32
      %swap3A_84 = arith.index_cast %swap3A_83 : i32 to index
      %swap3A_85 = arith.index_cast %mul3A_82 : i32 to index
      %swap3A_86 = tpu.vector_load %arg11[%swap3A_84, %swap3A_85] {strides = array<i32>} : memref<32x512xf32, #tpu.memory_space<vmem>>, vector<16xf32>,
      tpu.vector_store %arg11[%swap3A_84, %swap3A_85], %gather3A_80 {strides = array<i32>} : memref<32x512xf32, #tpu.memory_space<vmem>>, vector<16xf32>,
      %mul3A_87 = arith.constant 32 : i32
      %mul3A_88 = vector.broadcast %mul3A_87 : i32 to vector<16xi32>
      %mul3A_89 = arith.muli %iota3A, %mul3A_88 : vector<16xi32>
      %add3A_90 = arith.constant 4 : i32
      %add3A_91 = vector.broadcast %add3A_90 : i32 to vector<16xi32>
      %add3A_92 = arith.addi %mul3A_89, %add3A_91 : vector<16xi32>
      %gather3A_93 = tpu.vector_load_idx %arg10[%add3A_92, %and3A_36] : memref<512x128xf32, #tpu.memory_space<vmem>>[vector<16xi32>, vector<16xi32>], vector<16xf32>,
      %mul3A_94 = arith.constant 16 : i32
      %mul3A_95 = arith.muli %scan3A_16, %mul3A_94 : i32
      %swap3A_96 = arith.constant 4 : i32
      %swap3A_97 = arith.index_cast %swap3A_96 : i32 to index
      %swap3A_98 = arith.index_cast %mul3A_95 : i32 to index
      %swap3A_99 = tpu.vector_load %arg11[%swap3A_97, %swap3A_98] {strides = array<i32>} : memref<32x512xf32, #tpu.memory_space<vmem>>, vector<16xf32>,
      tpu.vector_store %arg11[%swap3A_97, %swap3A_98], %gather3A_93 {strides = array<i32>} : memref<32x512xf32, #tpu.memory_space<vmem>>, vector<16xf32>,
      %mul3A_100 = arith.constant 32 : i32
      %mul3A_101 = vector.broadcast %mul3A_100 : i32 to vector<16xi32>
      %mul3A_102 = arith.muli %iota3A, %mul3A_101 : vector<16xi32>
      %add3A_103 = arith.constant 5 : i32
      %add3A_104 = vector.broadcast %add3A_103 : i32 to vector<16xi32>
      %add3A_105 = arith.addi %mul3A_102, %add3A_104 : vector<16xi32>
      %gather3A_106 = tpu.vector_load_idx %arg10[%add3A_105, %and3A_36] : memref<512x128xf32, #tpu.memory_space<vmem>>[vector<16xi32>, vector<16xi32>], vector<16xf32>,
      %mul3A_107 = arith.constant 16 : i32
      %mul3A_108 = arith.muli %scan3A_16, %mul3A_107 : i32
      %swap3A_109 = arith.constant 5 : i32
      %swap3A_110 = arith.index_cast %swap3A_109 : i32 to index
      %swap3A_111 = arith.index_cast %mul3A_108 : i32 to index
      %swap3A_112 = tpu.vector_load %arg11[%swap3A_110, %swap3A_111] {strides = array<i32>} : memref<32x512xf32, #tpu.memory_space<vmem>>, vector<16xf32>,
      tpu.vector_store %arg11[%swap3A_110, %swap3A_111], %gather3A_106 {strides = array<i32>} : memref<32x512xf32, #tpu.memory_space<vmem>>, vector<16xf32>,
      %mul3A_113 = arith.constant 32 : i32
      %mul3A_114 = vector.broadcast %mul3A_113 : i32 to vector<16xi32>
      %mul3A_115 = arith.muli %iota3A, %mul3A_114 : vector<16xi32>
      %add3A_116 = arith.constant 6 : i32
      %add3A_117 = vector.broadcast %add3A_116 : i32 to vector<16xi32>
      %add3A_118 = arith.addi %mul3A_115, %add3A_117 : vector<16xi32>
      %gather3A_119 = tpu.vector_load_idx %arg10[%add3A_118, %and3A_36] : memref<512x128xf32, #tpu.memory_space<vmem>>[vector<16xi32>, vector<16xi32>], vector<16xf32>,
      %mul3A_120 = arith.constant 16 : i32
      %mul3A_121 = arith.muli %scan3A_16, %mul3A_120 : i32
      %swap3A_122 = arith.constant 6 : i32
      %swap3A_123 = arith.index_cast %swap3A_122 : i32 to index
      %swap3A_124 = arith.index_cast %mul3A_121 : i32 to index
      %swap3A_125 = tpu.vector_load %arg11[%swap3A_123, %swap3A_124] {strides = array<i32>} : memref<32x512xf32, #tpu.memory_space<vmem>>, vector<16xf32>,
      tpu.vector_store %arg11[%swap3A_123, %swap3A_124], %gather3A_119 {strides = array<i32>} : memref<32x512xf32, #tpu.memory_space<vmem>>, vector<16xf32>,
      %mul3A_126 = arith.constant 32 : i32
      %mul3A_127 = vector.broadcast %mul3A_126 : i32 to vector<16xi32>
      %mul3A_128 = arith.muli %iota3A, %mul3A_127 : vector<16xi32>
      %add3A_129 = arith.constant 7 : i32
      %add3A_130 = vector.broadcast %add3A_129 : i32 to vector<16xi32>
      %add3A_131 = arith.addi %mul3A_128, %add3A_130 : vector<16xi32>
      %gather3A_132 = tpu.vector_load_idx %arg10[%add3A_131, %and3A_36] : memref<512x128xf32, #tpu.memory_space<vmem>>[vector<16xi32>, vector<16xi32>], vector<16xf32>,
      %mul3A_133 = arith.constant 16 : i32
      %mul3A_134 = arith.muli %scan3A_16, %mul3A_133 : i32
      %swap3A_135 = arith.constant 7 : i32
      %swap3A_136 = arith.index_cast %swap3A_135 : i32 to index
      %swap3A_137 = arith.index_cast %mul3A_134 : i32 to index
      %swap3A_138 = tpu.vector_load %arg11[%swap3A_136, %swap3A_137] {strides = array<i32>} : memref<32x512xf32, #tpu.memory_space<vmem>>, vector<16xf32>,
      tpu.vector_store %arg11[%swap3A_136, %swap3A_137], %gather3A_132 {strides = array<i32>} : memref<32x512xf32, #tpu.memory_space<vmem>>, vector<16xf32>,
      %mul3A_139 = arith.constant 32 : i32
      %mul3A_140 = vector.broadcast %mul3A_139 : i32 to vector<16xi32>
      %mul3A_141 = arith.muli %iota3A, %mul3A_140 : vector<16xi32>
      %add3A_142 = arith.constant 8 : i32
      %add3A_143 = vector.broadcast %add3A_142 : i32 to vector<16xi32>
      %add3A_144 = arith.addi %mul3A_141, %add3A_143 : vector<16xi32>
      %gather3A_145 = tpu.vector_load_idx %arg10[%add3A_144, %and3A_36] : memref<512x128xf32, #tpu.memory_space<vmem>>[vector<16xi32>, vector<16xi32>], vector<16xf32>,
      %mul3A_146 = arith.constant 16 : i32
      %mul3A_147 = arith.muli %scan3A_16, %mul3A_146 : i32
      %swap3A_148 = arith.constant 8 : i32
      %swap3A_149 = arith.index_cast %swap3A_148 : i32 to index
      %swap3A_150 = arith.index_cast %mul3A_147 : i32 to index
      %swap3A_151 = tpu.vector_load %arg11[%swap3A_149, %swap3A_150] {strides = array<i32>} : memref<32x512xf32, #tpu.memory_space<vmem>>, vector<16xf32>,
      tpu.vector_store %arg11[%swap3A_149, %swap3A_150], %gather3A_145 {strides = array<i32>} : memref<32x512xf32, #tpu.memory_space<vmem>>, vector<16xf32>,
      %mul3A_152 = arith.constant 32 : i32
      %mul3A_153 = vector.broadcast %mul3A_152 : i32 to vector<16xi32>
      %mul3A_154 = arith.muli %iota3A, %mul3A_153 : vector<16xi32>
      %add3A_155 = arith.constant 9 : i32
      %add3A_156 = vector.broadcast %add3A_155 : i32 to vector<16xi32>
      %add3A_157 = arith.addi %mul3A_154, %add3A_156 : vector<16xi32>
      %gather3A_158 = tpu.vector_load_idx %arg10[%add3A_157, %and3A_36] : memref<512x128xf32, #tpu.memory_space<vmem>>[vector<16xi32>, vector<16xi32>], vector<16xf32>,
      %mul3A_159 = arith.constant 16 : i32
      %mul3A_160 = arith.muli %scan3A_16, %mul3A_159 : i32
      %swap3A_161 = arith.constant 9 : i32
      %swap3A_162 = arith.index_cast %swap3A_161 : i32 to index
      %swap3A_163 = arith.index_cast %mul3A_160 : i32 to index
      %swap3A_164 = tpu.vector_load %arg11[%swap3A_162, %swap3A_163] {strides = array<i32>} : memref<32x512xf32, #tpu.memory_space<vmem>>, vector<16xf32>,
      tpu.vector_store %arg11[%swap3A_162, %swap3A_163], %gather3A_158 {strides = array<i32>} : memref<32x512xf32, #tpu.memory_space<vmem>>, vector<16xf32>,
      %mul3A_165 = arith.constant 32 : i32
      %mul3A_166 = vector.broadcast %mul3A_165 : i32 to vector<16xi32>
      %mul3A_167 = arith.muli %iota3A, %mul3A_166 : vector<16xi32>
      %add3A_168 = arith.constant 10 : i32
      %add3A_169 = vector.broadcast %add3A_168 : i32 to vector<16xi32>
      %add3A_170 = arith.addi %mul3A_167, %add3A_169 : vector<16xi32>
      %gather3A_171 = tpu.vector_load_idx %arg10[%add3A_170, %and3A_36] : memref<512x128xf32, #tpu.memory_space<vmem>>[vector<16xi32>, vector<16xi32>], vector<16xf32>,
      %mul3A_172 = arith.constant 16 : i32
      %mul3A_173 = arith.muli %scan3A_16, %mul3A_172 : i32
      %swap3A_174 = arith.constant 10 : i32
      %swap3A_175 = arith.index_cast %swap3A_174 : i32 to index
      %swap3A_176 = arith.index_cast %mul3A_173 : i32 to index
      %swap3A_177 = tpu.vector_load %arg11[%swap3A_175, %swap3A_176] {strides = array<i32>} : memref<32x512xf32, #tpu.memory_space<vmem>>, vector<16xf32>,
      tpu.vector_store %arg11[%swap3A_175, %swap3A_176], %gather3A_171 {strides = array<i32>} : memref<32x512xf32, #tpu.memory_space<vmem>>, vector<16xf32>,
      %mul3A_178 = arith.constant 32 : i32
      %mul3A_179 = vector.broadcast %mul3A_178 : i32 to vector<16xi32>
      %mul3A_180 = arith.muli %iota3A, %mul3A_179 : vector<16xi32>
      %add3A_181 = arith.constant 11 : i32
      %add3A_182 = vector.broadcast %add3A_181 : i32 to vector<16xi32>
      %add3A_183 = arith.addi %mul3A_180, %add3A_182 : vector<16xi32>
      %gather3A_184 = tpu.vector_load_idx %arg10[%add3A_183, %and3A_36] : memref<512x128xf32, #tpu.memory_space<vmem>>[vector<16xi32>, vector<16xi32>], vector<16xf32>,
      %mul3A_185 = arith.constant 16 : i32
      %mul3A_186 = arith.muli %scan3A_16, %mul3A_185 : i32
      %swap3A_187 = arith.constant 11 : i32
      %swap3A_188 = arith.index_cast %swap3A_187 : i32 to index
      %swap3A_189 = arith.index_cast %mul3A_186 : i32 to index
      %swap3A_190 = tpu.vector_load %arg11[%swap3A_188, %swap3A_189] {strides = array<i32>} : memref<32x512xf32, #tpu.memory_space<vmem>>, vector<16xf32>,
      tpu.vector_store %arg11[%swap3A_188, %swap3A_189], %gather3A_184 {strides = array<i32>} : memref<32x512xf32, #tpu.memory_space<vmem>>, vector<16xf32>,
      %mul3A_191 = arith.constant 32 : i32
      %mul3A_192 = vector.broadcast %mul3A_191 : i32 to vector<16xi32>
      %mul3A_193 = arith.muli %iota3A, %mul3A_192 : vector<16xi32>
      %add3A_194 = arith.constant 12 : i32
      %add3A_195 = vector.broadcast %add3A_194 : i32 to vector<16xi32>
      %add3A_196 = arith.addi %mul3A_193, %add3A_195 : vector<16xi32>
      %gather3A_197 = tpu.vector_load_idx %arg10[%add3A_196, %and3A_36] : memref<512x128xf32, #tpu.memory_space<vmem>>[vector<16xi32>, vector<16xi32>], vector<16xf32>,
      %mul3A_198 = arith.constant 16 : i32
      %mul3A_199 = arith.muli %scan3A_16, %mul3A_198 : i32
      %swap3A_200 = arith.constant 12 : i32
      %swap3A_201 = arith.index_cast %swap3A_200 : i32 to index
      %swap3A_202 = arith.index_cast %mul3A_199 : i32 to index
      %swap3A_203 = tpu.vector_load %arg11[%swap3A_201, %swap3A_202] {strides = array<i32>} : memref<32x512xf32, #tpu.memory_space<vmem>>, vector<16xf32>,
      tpu.vector_store %arg11[%swap3A_201, %swap3A_202], %gather3A_197 {strides = array<i32>} : memref<32x512xf32, #tpu.memory_space<vmem>>, vector<16xf32>,
      %mul3A_204 = arith.constant 32 : i32
      %mul3A_205 = vector.broadcast %mul3A_204 : i32 to vector<16xi32>
      %mul3A_206 = arith.muli %iota3A, %mul3A_205 : vector<16xi32>
      %add3A_207 = arith.constant 13 : i32
      %add3A_208 = vector.broadcast %add3A_207 : i32 to vector<16xi32>
      %add3A_209 = arith.addi %mul3A_206, %add3A_208 : vector<16xi32>
      %gather3A_210 = tpu.vector_load_idx %arg10[%add3A_209, %and3A_36] : memref<512x128xf32, #tpu.memory_space<vmem>>[vector<16xi32>, vector<16xi32>], vector<16xf32>,
      %mul3A_211 = arith.constant 16 : i32
      %mul3A_212 = arith.muli %scan3A_16, %mul3A_211 : i32
      %swap3A_213 = arith.constant 13 : i32
      %swap3A_214 = arith.index_cast %swap3A_213 : i32 to index
      %swap3A_215 = arith.index_cast %mul3A_212 : i32 to index
      %swap3A_216 = tpu.vector_load %arg11[%swap3A_214, %swap3A_215] {strides = array<i32>} : memref<32x512xf32, #tpu.memory_space<vmem>>, vector<16xf32>,
      tpu.vector_store %arg11[%swap3A_214, %swap3A_215], %gather3A_210 {strides = array<i32>} : memref<32x512xf32, #tpu.memory_space<vmem>>, vector<16xf32>,
      %mul3A_217 = arith.constant 32 : i32
      %mul3A_218 = vector.broadcast %mul3A_217 : i32 to vector<16xi32>
      %mul3A_219 = arith.muli %iota3A, %mul3A_218 : vector<16xi32>
      %add3A_220 = arith.constant 14 : i32
      %add3A_221 = vector.broadcast %add3A_220 : i32 to vector<16xi32>
      %add3A_222 = arith.addi %mul3A_219, %add3A_221 : vector<16xi32>
      %gather3A_223 = tpu.vector_load_idx %arg10[%add3A_222, %and3A_36] : memref<512x128xf32, #tpu.memory_space<vmem>>[vector<16xi32>, vector<16xi32>], vector<16xf32>,
      %mul3A_224 = arith.constant 16 : i32
      %mul3A_225 = arith.muli %scan3A_16, %mul3A_224 : i32
      %swap3A_226 = arith.constant 14 : i32
      %swap3A_227 = arith.index_cast %swap3A_226 : i32 to index
      %swap3A_228 = arith.index_cast %mul3A_225 : i32 to index
      %swap3A_229 = tpu.vector_load %arg11[%swap3A_227, %swap3A_228] {strides = array<i32>} : memref<32x512xf32, #tpu.memory_space<vmem>>, vector<16xf32>,
      tpu.vector_store %arg11[%swap3A_227, %swap3A_228], %gather3A_223 {strides = array<i32>} : memref<32x512xf32, #tpu.memory_space<vmem>>, vector<16xf32>,
      %mul3A_230 = arith.constant 32 : i32
      %mul3A_231 = vector.broadcast %mul3A_230 : i32 to vector<16xi32>
      %mul3A_232 = arith.muli %iota3A, %mul3A_231 : vector<16xi32>
      %add3A_233 = arith.constant 15 : i32
      %add3A_234 = vector.broadcast %add3A_233 : i32 to vector<16xi32>
      %add3A_235 = arith.addi %mul3A_232, %add3A_234 : vector<16xi32>
      %gather3A_236 = tpu.vector_load_idx %arg10[%add3A_235, %and3A_36] : memref<512x128xf32, #tpu.memory_space<vmem>>[vector<16xi32>, vector<16xi32>], vector<16xf32>,
      %mul3A_237 = arith.constant 16 : i32
      %mul3A_238 = arith.muli %scan3A_16, %mul3A_237 : i32
      %swap3A_239 = arith.constant 15 : i32
      %swap3A_240 = arith.index_cast %swap3A_239 : i32 to index
      %swap3A_241 = arith.index_cast %mul3A_238 : i32 to index
      %swap3A_242 = tpu.vector_load %arg11[%swap3A_240, %swap3A_241] {strides = array<i32>} : memref<32x512xf32, #tpu.memory_space<vmem>>, vector<16xf32>,
      tpu.vector_store %arg11[%swap3A_240, %swap3A_241], %gather3A_236 {strides = array<i32>} : memref<32x512xf32, #tpu.memory_space<vmem>>, vector<16xf32>,
      %mul3A_243 = arith.constant 32 : i32
      %mul3A_244 = vector.broadcast %mul3A_243 : i32 to vector<16xi32>
      %mul3A_245 = arith.muli %iota3A, %mul3A_244 : vector<16xi32>
      %add3A_246 = arith.constant 16 : i32
      %add3A_247 = vector.broadcast %add3A_246 : i32 to vector<16xi32>
      %add3A_248 = arith.addi %mul3A_245, %add3A_247 : vector<16xi32>
      %gather3A_249 = tpu.vector_load_idx %arg10[%add3A_248, %and3A_36] : memref<512x128xf32, #tpu.memory_space<vmem>>[vector<16xi32>, vector<16xi32>], vector<16xf32>,
      %mul3A_250 = arith.constant 16 : i32
      %mul3A_251 = arith.muli %scan3A_16, %mul3A_250 : i32
      %swap3A_252 = arith.constant 16 : i32
      %swap3A_253 = arith.index_cast %swap3A_252 : i32 to index
      %swap3A_254 = arith.index_cast %mul3A_251 : i32 to index
      %swap3A_255 = tpu.vector_load %arg11[%swap3A_253, %swap3A_254] {strides = array<i32>} : memref<32x512xf32, #tpu.memory_space<vmem>>, vector<16xf32>,
      tpu.vector_store %arg11[%swap3A_253, %swap3A_254], %gather3A_249 {strides = array<i32>} : memref<32x512xf32, #tpu.memory_space<vmem>>, vector<16xf32>,
      %mul3A_256 = arith.constant 32 : i32
      %mul3A_257 = vector.broadcast %mul3A_256 : i32 to vector<16xi32>
      %mul3A_258 = arith.muli %iota3A, %mul3A_257 : vector<16xi32>
      %add3A_259 = arith.constant 17 : i32
      %add3A_260 = vector.broadcast %add3A_259 : i32 to vector<16xi32>
      %add3A_261 = arith.addi %mul3A_258, %add3A_260 : vector<16xi32>
      %gather3A_262 = tpu.vector_load_idx %arg10[%add3A_261, %and3A_36] : memref<512x128xf32, #tpu.memory_space<vmem>>[vector<16xi32>, vector<16xi32>], vector<16xf32>,
      %mul3A_263 = arith.constant 16 : i32
      %mul3A_264 = arith.muli %scan3A_16, %mul3A_263 : i32
      %swap3A_265 = arith.constant 17 : i32
      %swap3A_266 = arith.index_cast %swap3A_265 : i32 to index
      %swap3A_267 = arith.index_cast %mul3A_264 : i32 to index
      %swap3A_268 = tpu.vector_load %arg11[%swap3A_266, %swap3A_267] {strides = array<i32>} : memref<32x512xf32, #tpu.memory_space<vmem>>, vector<16xf32>,
      tpu.vector_store %arg11[%swap3A_266, %swap3A_267], %gather3A_262 {strides = array<i32>} : memref<32x512xf32, #tpu.memory_space<vmem>>, vector<16xf32>,
      %mul3A_269 = arith.constant 32 : i32
      %mul3A_270 = vector.broadcast %mul3A_269 : i32 to vector<16xi32>
      %mul3A_271 = arith.muli %iota3A, %mul3A_270 : vector<16xi32>
      %add3A_272 = arith.constant 18 : i32
      %add3A_273 = vector.broadcast %add3A_272 : i32 to vector<16xi32>
      %add3A_274 = arith.addi %mul3A_271, %add3A_273 : vector<16xi32>
      %gather3A_275 = tpu.vector_load_idx %arg10[%add3A_274, %and3A_36] : memref<512x128xf32, #tpu.memory_space<vmem>>[vector<16xi32>, vector<16xi32>], vector<16xf32>,
      %mul3A_276 = arith.constant 16 : i32
      %mul3A_277 = arith.muli %scan3A_16, %mul3A_276 : i32
      %swap3A_278 = arith.constant 18 : i32
      %swap3A_279 = arith.index_cast %swap3A_278 : i32 to index
      %swap3A_280 = arith.index_cast %mul3A_277 : i32 to index
      %swap3A_281 = tpu.vector_load %arg11[%swap3A_279, %swap3A_280] {strides = array<i32>} : memref<32x512xf32, #tpu.memory_space<vmem>>, vector<16xf32>,
      tpu.vector_store %arg11[%swap3A_279, %swap3A_280], %gather3A_275 {strides = array<i32>} : memref<32x512xf32, #tpu.memory_space<vmem>>, vector<16xf32>,
      %mul3A_282 = arith.constant 32 : i32
      %mul3A_283 = vector.broadcast %mul3A_282 : i32 to vector<16xi32>
      %mul3A_284 = arith.muli %iota3A, %mul3A_283 : vector<16xi32>
      %add3A_285 = arith.constant 19 : i32
      %add3A_286 = vector.broadcast %add3A_285 : i32 to vector<16xi32>
      %add3A_287 = arith.addi %mul3A_284, %add3A_286 : vector<16xi32>
      %gather3A_288 = tpu.vector_load_idx %arg10[%add3A_287, %and3A_36] : memref<512x128xf32, #tpu.memory_space<vmem>>[vector<16xi32>, vector<16xi32>], vector<16xf32>,
      %mul3A_289 = arith.constant 16 : i32
      %mul3A_290 = arith.muli %scan3A_16, %mul3A_289 : i32
      %swap3A_291 = arith.constant 19 : i32
      %swap3A_292 = arith.index_cast %swap3A_291 : i32 to index
      %swap3A_293 = arith.index_cast %mul3A_290 : i32 to index
      %swap3A_294 = tpu.vector_load %arg11[%swap3A_292, %swap3A_293] {strides = array<i32>} : memref<32x512xf32, #tpu.memory_space<vmem>>, vector<16xf32>,
      tpu.vector_store %arg11[%swap3A_292, %swap3A_293], %gather3A_288 {strides = array<i32>} : memref<32x512xf32, #tpu.memory_space<vmem>>, vector<16xf32>,
      %mul3A_295 = arith.constant 32 : i32
      %mul3A_296 = vector.broadcast %mul3A_295 : i32 to vector<16xi32>
      %mul3A_297 = arith.muli %iota3A, %mul3A_296 : vector<16xi32>
      %add3A_298 = arith.constant 20 : i32
      %add3A_299 = vector.broadcast %add3A_298 : i32 to vector<16xi32>
      %add3A_300 = arith.addi %mul3A_297, %add3A_299 : vector<16xi32>
      %gather3A_301 = tpu.vector_load_idx %arg10[%add3A_300, %and3A_36] : memref<512x128xf32, #tpu.memory_space<vmem>>[vector<16xi32>, vector<16xi32>], vector<16xf32>,
      %mul3A_302 = arith.constant 16 : i32
      %mul3A_303 = arith.muli %scan3A_16, %mul3A_302 : i32
      %swap3A_304 = arith.constant 20 : i32
      %swap3A_305 = arith.index_cast %swap3A_304 : i32 to index
      %swap3A_306 = arith.index_cast %mul3A_303 : i32 to index
      %swap3A_307 = tpu.vector_load %arg11[%swap3A_305, %swap3A_306] {strides = array<i32>} : memref<32x512xf32, #tpu.memory_space<vmem>>, vector<16xf32>,
      tpu.vector_store %arg11[%swap3A_305, %swap3A_306], %gather3A_301 {strides = array<i32>} : memref<32x512xf32, #tpu.memory_space<vmem>>, vector<16xf32>,
      %mul3A_308 = arith.constant 32 : i32
      %mul3A_309 = vector.broadcast %mul3A_308 : i32 to vector<16xi32>
      %mul3A_310 = arith.muli %iota3A, %mul3A_309 : vector<16xi32>
      %add3A_311 = arith.constant 21 : i32
      %add3A_312 = vector.broadcast %add3A_311 : i32 to vector<16xi32>
      %add3A_313 = arith.addi %mul3A_310, %add3A_312 : vector<16xi32>
      %gather3A_314 = tpu.vector_load_idx %arg10[%add3A_313, %and3A_36] : memref<512x128xf32, #tpu.memory_space<vmem>>[vector<16xi32>, vector<16xi32>], vector<16xf32>,
      %mul3A_315 = arith.constant 16 : i32
      %mul3A_316 = arith.muli %scan3A_16, %mul3A_315 : i32
      %swap3A_317 = arith.constant 21 : i32
      %swap3A_318 = arith.index_cast %swap3A_317 : i32 to index
      %swap3A_319 = arith.index_cast %mul3A_316 : i32 to index
      %swap3A_320 = tpu.vector_load %arg11[%swap3A_318, %swap3A_319] {strides = array<i32>} : memref<32x512xf32, #tpu.memory_space<vmem>>, vector<16xf32>,
      tpu.vector_store %arg11[%swap3A_318, %swap3A_319], %gather3A_314 {strides = array<i32>} : memref<32x512xf32, #tpu.memory_space<vmem>>, vector<16xf32>,
      %mul3A_321 = arith.constant 32 : i32
      %mul3A_322 = vector.broadcast %mul3A_321 : i32 to vector<16xi32>
      %mul3A_323 = arith.muli %iota3A, %mul3A_322 : vector<16xi32>
      %add3A_324 = arith.constant 22 : i32
      %add3A_325 = vector.broadcast %add3A_324 : i32 to vector<16xi32>
      %add3A_326 = arith.addi %mul3A_323, %add3A_325 : vector<16xi32>
      %gather3A_327 = tpu.vector_load_idx %arg10[%add3A_326, %and3A_36] : memref<512x128xf32, #tpu.memory_space<vmem>>[vector<16xi32>, vector<16xi32>], vector<16xf32>,
      %mul3A_328 = arith.constant 16 : i32
      %mul3A_329 = arith.muli %scan3A_16, %mul3A_328 : i32
      %swap3A_330 = arith.constant 22 : i32
      %swap3A_331 = arith.index_cast %swap3A_330 : i32 to index
      %swap3A_332 = arith.index_cast %mul3A_329 : i32 to index
      %swap3A_333 = tpu.vector_load %arg11[%swap3A_331, %swap3A_332] {strides = array<i32>} : memref<32x512xf32, #tpu.memory_space<vmem>>, vector<16xf32>,
      tpu.vector_store %arg11[%swap3A_331, %swap3A_332], %gather3A_327 {strides = array<i32>} : memref<32x512xf32, #tpu.memory_space<vmem>>, vector<16xf32>,
      %mul3A_334 = arith.constant 32 : i32
      %mul3A_335 = vector.broadcast %mul3A_334 : i32 to vector<16xi32>
      %mul3A_336 = arith.muli %iota3A, %mul3A_335 : vector<16xi32>
      %add3A_337 = arith.constant 23 : i32
      %add3A_338 = vector.broadcast %add3A_337 : i32 to vector<16xi32>
      %add3A_339 = arith.addi %mul3A_336, %add3A_338 : vector<16xi32>
      %gather3A_340 = tpu.vector_load_idx %arg10[%add3A_339, %and3A_36] : memref<512x128xf32, #tpu.memory_space<vmem>>[vector<16xi32>, vector<16xi32>], vector<16xf32>,
      %mul3A_341 = arith.constant 16 : i32
      %mul3A_342 = arith.muli %scan3A_16, %mul3A_341 : i32
      %swap3A_343 = arith.constant 23 : i32
      %swap3A_344 = arith.index_cast %swap3A_343 : i32 to index
      %swap3A_345 = arith.index_cast %mul3A_342 : i32 to index
      %swap3A_346 = tpu.vector_load %arg11[%swap3A_344, %swap3A_345] {strides = array<i32>} : memref<32x512xf32, #tpu.memory_space<vmem>>, vector<16xf32>,
      tpu.vector_store %arg11[%swap3A_344, %swap3A_345], %gather3A_340 {strides = array<i32>} : memref<32x512xf32, #tpu.memory_space<vmem>>, vector<16xf32>,
      %mul3A_347 = arith.constant 32 : i32
      %mul3A_348 = vector.broadcast %mul3A_347 : i32 to vector<16xi32>
      %mul3A_349 = arith.muli %iota3A, %mul3A_348 : vector<16xi32>
      %add3A_350 = arith.constant 24 : i32
      %add3A_351 = vector.broadcast %add3A_350 : i32 to vector<16xi32>
      %add3A_352 = arith.addi %mul3A_349, %add3A_351 : vector<16xi32>
      %gather3A_353 = tpu.vector_load_idx %arg10[%add3A_352, %and3A_36] : memref<512x128xf32, #tpu.memory_space<vmem>>[vector<16xi32>, vector<16xi32>], vector<16xf32>,
      %mul3A_354 = arith.constant 16 : i32
      %mul3A_355 = arith.muli %scan3A_16, %mul3A_354 : i32
      %swap3A_356 = arith.constant 24 : i32
      %swap3A_357 = arith.index_cast %swap3A_356 : i32 to index
      %swap3A_358 = arith.index_cast %mul3A_355 : i32 to index
      %swap3A_359 = tpu.vector_load %arg11[%swap3A_357, %swap3A_358] {strides = array<i32>} : memref<32x512xf32, #tpu.memory_space<vmem>>, vector<16xf32>,
      tpu.vector_store %arg11[%swap3A_357, %swap3A_358], %gather3A_353 {strides = array<i32>} : memref<32x512xf32, #tpu.memory_space<vmem>>, vector<16xf32>,
      %mul3A_360 = arith.constant 32 : i32
      %mul3A_361 = vector.broadcast %mul3A_360 : i32 to vector<16xi32>
      %mul3A_362 = arith.muli %iota3A, %mul3A_361 : vector<16xi32>
      %add3A_363 = arith.constant 25 : i32
      %add3A_364 = vector.broadcast %add3A_363 : i32 to vector<16xi32>
      %add3A_365 = arith.addi %mul3A_362, %add3A_364 : vector<16xi32>
      %gather3A_366 = tpu.vector_load_idx %arg10[%add3A_365, %and3A_36] : memref<512x128xf32, #tpu.memory_space<vmem>>[vector<16xi32>, vector<16xi32>], vector<16xf32>,
      %mul3A_367 = arith.constant 16 : i32
      %mul3A_368 = arith.muli %scan3A_16, %mul3A_367 : i32
      %swap3A_369 = arith.constant 25 : i32
      %swap3A_370 = arith.index_cast %swap3A_369 : i32 to index
      %swap3A_371 = arith.index_cast %mul3A_368 : i32 to index
      %swap3A_372 = tpu.vector_load %arg11[%swap3A_370, %swap3A_371] {strides = array<i32>} : memref<32x512xf32, #tpu.memory_space<vmem>>, vector<16xf32>,
      tpu.vector_store %arg11[%swap3A_370, %swap3A_371], %gather3A_366 {strides = array<i32>} : memref<32x512xf32, #tpu.memory_space<vmem>>, vector<16xf32>,
      %mul3A_373 = arith.constant 32 : i32
      %mul3A_374 = vector.broadcast %mul3A_373 : i32 to vector<16xi32>
      %mul3A_375 = arith.muli %iota3A, %mul3A_374 : vector<16xi32>
      %add3A_376 = arith.constant 26 : i32
      %add3A_377 = vector.broadcast %add3A_376 : i32 to vector<16xi32>
      %add3A_378 = arith.addi %mul3A_375, %add3A_377 : vector<16xi32>
      %gather3A_379 = tpu.vector_load_idx %arg10[%add3A_378, %and3A_36] : memref<512x128xf32, #tpu.memory_space<vmem>>[vector<16xi32>, vector<16xi32>], vector<16xf32>,
      %mul3A_380 = arith.constant 16 : i32
      %mul3A_381 = arith.muli %scan3A_16, %mul3A_380 : i32
      %swap3A_382 = arith.constant 26 : i32
      %swap3A_383 = arith.index_cast %swap3A_382 : i32 to index
      %swap3A_384 = arith.index_cast %mul3A_381 : i32 to index
      %swap3A_385 = tpu.vector_load %arg11[%swap3A_383, %swap3A_384] {strides = array<i32>} : memref<32x512xf32, #tpu.memory_space<vmem>>, vector<16xf32>,
      tpu.vector_store %arg11[%swap3A_383, %swap3A_384], %gather3A_379 {strides = array<i32>} : memref<32x512xf32, #tpu.memory_space<vmem>>, vector<16xf32>,
      %mul3A_386 = arith.constant 32 : i32
      %mul3A_387 = vector.broadcast %mul3A_386 : i32 to vector<16xi32>
      %mul3A_388 = arith.muli %iota3A, %mul3A_387 : vector<16xi32>
      %add3A_389 = arith.constant 27 : i32
      %add3A_390 = vector.broadcast %add3A_389 : i32 to vector<16xi32>
      %add3A_391 = arith.addi %mul3A_388, %add3A_390 : vector<16xi32>
      %gather3A_392 = tpu.vector_load_idx %arg10[%add3A_391, %and3A_36] : memref<512x128xf32, #tpu.memory_space<vmem>>[vector<16xi32>, vector<16xi32>], vector<16xf32>,
      %mul3A_393 = arith.constant 16 : i32
      %mul3A_394 = arith.muli %scan3A_16, %mul3A_393 : i32
      %swap3A_395 = arith.constant 27 : i32
      %swap3A_396 = arith.index_cast %swap3A_395 : i32 to index
      %swap3A_397 = arith.index_cast %mul3A_394 : i32 to index
      %swap3A_398 = tpu.vector_load %arg11[%swap3A_396, %swap3A_397] {strides = array<i32>} : memref<32x512xf32, #tpu.memory_space<vmem>>, vector<16xf32>,
      tpu.vector_store %arg11[%swap3A_396, %swap3A_397], %gather3A_392 {strides = array<i32>} : memref<32x512xf32, #tpu.memory_space<vmem>>, vector<16xf32>,
      %mul3A_399 = arith.constant 32 : i32
      %mul3A_400 = vector.broadcast %mul3A_399 : i32 to vector<16xi32>
      %mul3A_401 = arith.muli %iota3A, %mul3A_400 : vector<16xi32>
      %add3A_402 = arith.constant 28 : i32
      %add3A_403 = vector.broadcast %add3A_402 : i32 to vector<16xi32>
      %add3A_404 = arith.addi %mul3A_401, %add3A_403 : vector<16xi32>
      %gather3A_405 = tpu.vector_load_idx %arg10[%add3A_404, %and3A_36] : memref<512x128xf32, #tpu.memory_space<vmem>>[vector<16xi32>, vector<16xi32>], vector<16xf32>,
      %mul3A_406 = arith.constant 16 : i32
      %mul3A_407 = arith.muli %scan3A_16, %mul3A_406 : i32
      %swap3A_408 = arith.constant 28 : i32
      %swap3A_409 = arith.index_cast %swap3A_408 : i32 to index
      %swap3A_410 = arith.index_cast %mul3A_407 : i32 to index
      %swap3A_411 = tpu.vector_load %arg11[%swap3A_409, %swap3A_410] {strides = array<i32>} : memref<32x512xf32, #tpu.memory_space<vmem>>, vector<16xf32>,
      tpu.vector_store %arg11[%swap3A_409, %swap3A_410], %gather3A_405 {strides = array<i32>} : memref<32x512xf32, #tpu.memory_space<vmem>>, vector<16xf32>,
      %mul3A_412 = arith.constant 32 : i32
      %mul3A_413 = vector.broadcast %mul3A_412 : i32 to vector<16xi32>
      %mul3A_414 = arith.muli %iota3A, %mul3A_413 : vector<16xi32>
      %add3A_415 = arith.constant 29 : i32
      %add3A_416 = vector.broadcast %add3A_415 : i32 to vector<16xi32>
      %add3A_417 = arith.addi %mul3A_414, %add3A_416 : vector<16xi32>
      %gather3A_418 = tpu.vector_load_idx %arg10[%add3A_417, %and3A_36] : memref<512x128xf32, #tpu.memory_space<vmem>>[vector<16xi32>, vector<16xi32>], vector<16xf32>,
      %mul3A_419 = arith.constant 16 : i32
      %mul3A_420 = arith.muli %scan3A_16, %mul3A_419 : i32
      %swap3A_421 = arith.constant 29 : i32
      %swap3A_422 = arith.index_cast %swap3A_421 : i32 to index
      %swap3A_423 = arith.index_cast %mul3A_420 : i32 to index
      %swap3A_424 = tpu.vector_load %arg11[%swap3A_422, %swap3A_423] {strides = array<i32>} : memref<32x512xf32, #tpu.memory_space<vmem>>, vector<16xf32>,
      tpu.vector_store %arg11[%swap3A_422, %swap3A_423], %gather3A_418 {strides = array<i32>} : memref<32x512xf32, #tpu.memory_space<vmem>>, vector<16xf32>,
      %mul3A_425 = arith.constant 32 : i32
      %mul3A_426 = vector.broadcast %mul3A_425 : i32 to vector<16xi32>
      %mul3A_427 = arith.muli %iota3A, %mul3A_426 : vector<16xi32>
      %add3A_428 = arith.constant 30 : i32
      %add3A_429 = vector.broadcast %add3A_428 : i32 to vector<16xi32>
      %add3A_430 = arith.addi %mul3A_427, %add3A_429 : vector<16xi32>
      %gather3A_431 = tpu.vector_load_idx %arg10[%add3A_430, %and3A_36] : memref<512x128xf32, #tpu.memory_space<vmem>>[vector<16xi32>, vector<16xi32>], vector<16xf32>,
      %mul3A_432 = arith.constant 16 : i32
      %mul3A_433 = arith.muli %scan3A_16, %mul3A_432 : i32
      %swap3A_434 = arith.constant 30 : i32
      %swap3A_435 = arith.index_cast %swap3A_434 : i32 to index
      %swap3A_436 = arith.index_cast %mul3A_433 : i32 to index
      %swap3A_437 = tpu.vector_load %arg11[%swap3A_435, %swap3A_436] {strides = array<i32>} : memref<32x512xf32, #tpu.memory_space<vmem>>, vector<16xf32>,
      tpu.vector_store %arg11[%swap3A_435, %swap3A_436], %gather3A_431 {strides = array<i32>} : memref<32x512xf32, #tpu.memory_space<vmem>>, vector<16xf32>,
      %mul3A_438 = arith.constant 32 : i32
      %mul3A_439 = vector.broadcast %mul3A_438 : i32 to vector<16xi32>
      %mul3A_440 = arith.muli %iota3A, %mul3A_439 : vector<16xi32>
      %add3A_441 = arith.constant 31 : i32
      %add3A_442 = vector.broadcast %add3A_441 : i32 to vector<16xi32>
      %add3A_443 = arith.addi %mul3A_440, %add3A_442 : vector<16xi32>
      %gather3A_444 = tpu.vector_load_idx %arg10[%add3A_443, %and3A_36] : memref<512x128xf32, #tpu.memory_space<vmem>>[vector<16xi32>, vector<16xi32>], vector<16xf32>,
      %mul3A_445 = arith.constant 16 : i32
      %mul3A_446 = arith.muli %scan3A_16, %mul3A_445 : i32
      %swap3A_447 = arith.constant 31 : i32
      %swap3A_448 = arith.index_cast %swap3A_447 : i32 to index
      %swap3A_449 = arith.index_cast %mul3A_446 : i32 to index
      %swap3A_450 = tpu.vector_load %arg11[%swap3A_448, %swap3A_449] {strides = array<i32>} : memref<32x512xf32, #tpu.memory_space<vmem>>, vector<16xf32>,
      tpu.vector_store %arg11[%swap3A_448, %swap3A_449], %gather3A_444 {strides = array<i32>} : memref<32x512xf32, #tpu.memory_space<vmem>>, vector<16xf32>,
      %scan3A_451 = arith.constant 0 : i32
      scf.yield %scan3A_451 : i32
    }
    %scan3A_15 = arith.constant 32 : i32
    "tpu.region"() ({
      %run_scoped3A = tpu.sem_alloc : memref<!tpu.dma_semaphore, #tpu.memory_space<semaphore_mem>>
      %dma_start3A = arith.constant 0 : i32
      %dma_start3A_16 = tpu.memref_slice %arg7[%dma_start3A, %mul3A_2] : memref<32x16384xf32, #tpu.memory_space<hbm>> -> memref<32x512xf32, #tpu.memory_space<hbm>>
      %dma_start3A_17 = arith.constant 0 : i32
      %dma_start3A_18 = tpu.memref_slice %arg7[%dma_start3A_17, %mul3A_2] : memref<32x16384xf32, #tpu.memory_space<hbm>> -> memref<32x512xf32, #tpu.memory_space<hbm>>
      tpu.enqueue_dma source(%arg11 : memref<32x512xf32, #tpu.memory_space<vmem>>) target(%dma_start3A_18 : memref<32x512xf32, #tpu.memory_space<hbm>>) target_semaphore(%run_scoped3A : memref<!tpu.dma_semaphore, #tpu.memory_space<semaphore_mem>>)
      %dma_wait3A = arith.constant 0 : i32
      %dma_wait3A_19 = tpu.memref_slice %arg7[%dma_wait3A, %mul3A_2] : memref<32x16384xf32, #tpu.memory_space<hbm>> -> memref<32x512xf32, #tpu.memory_space<hbm>>
      %dma_wait3A_20 = arith.constant 0 : i32
      %dma_wait3A_21 = tpu.memref_slice %arg7[%dma_wait3A_20, %mul3A_2] : memref<32x16384xf32, #tpu.memory_space<hbm>> -> memref<32x512xf32, #tpu.memory_space<hbm>>
      tpu.wait_dma2 semaphore(%run_scoped3A : memref<!tpu.dma_semaphore, #tpu.memory_space<semaphore_mem>>) src(%arg11 : memref<32x512xf32, #tpu.memory_space<vmem>>) dst(%dma_wait3A_21 : memref<32x512xf32, #tpu.memory_space<hbm>>)
      tpu.yield
    }) : () -> ()
    return
  }
}

module attributes {stable_mosaic.version = 14 : i64} {
  func.func @_mlp_body(%arg0: i32, %arg1: memref<32x2048xf32, #tpu.memory_space<vmem>>, %arg2: memref<32x2048xf32, #tpu.memory_space<vmem>>, %arg3: memref<64x32xf32, #tpu.memory_space<vmem>>, %arg4: memref<64x32xf32, #tpu.memory_space<vmem>>, %arg5: memref<64x1xf32, #tpu.memory_space<vmem>>, %arg6: memref<64x64xf32, #tpu.memory_space<vmem>>, %arg7: memref<64x1xf32, #tpu.memory_space<vmem>>, %arg8: memref<8x64xf32, #tpu.memory_space<vmem>>, %arg9: memref<1x1xf32, #tpu.memory_space<vmem>>, %arg10: memref<1x2048xf32, #tpu.memory_space<vmem>>) attributes {dimension_semantics = [#tpu.dimension_semantics<arbitrary>], iteration_bounds = array<i64: 8>, scalar_prefetch = 0 : i64, scratch_operands = 0 : i64, tpu.core_type = #tpu.core_type<tc>, window_params = [{transform_indices = @transform_0, window_bounds = array<i64: 32, 2048>}, {transform_indices = @transform_1, window_bounds = array<i64: 32, 2048>}, {pipeline_mode = #tpu.pipeline_mode<synchronous>, transform_indices = @transform_2, window_bounds = array<i64: 64, 32>}, {pipeline_mode = #tpu.pipeline_mode<synchronous>, transform_indices = @transform_3, window_bounds = array<i64: 64, 32>}, {pipeline_mode = #tpu.pipeline_mode<synchronous>, transform_indices = @transform_4, window_bounds = array<i64: 64, 1>}, {pipeline_mode = #tpu.pipeline_mode<synchronous>, transform_indices = @transform_5, window_bounds = array<i64: 64, 64>}, {pipeline_mode = #tpu.pipeline_mode<synchronous>, transform_indices = @transform_6, window_bounds = array<i64: 64, 1>}, {pipeline_mode = #tpu.pipeline_mode<synchronous>, transform_indices = @transform_7, window_bounds = array<i64: 8, 64>}, {pipeline_mode = #tpu.pipeline_mode<synchronous>, transform_indices = @transform_8, window_bounds = array<i64: 1, 1>}, {transform_indices = @transform_9, window_bounds = array<i64: 1, 2048>}]} {
    %get3A = arith.constant 0 : index
    %get3A_0 = arith.constant 0 : index
    %get3A_1 = vector.load %arg3[%get3A, %get3A_0] : memref<64x32xf32, #tpu.memory_space<vmem>>, vector<64x32xf32>
    %get3A_2 = arith.constant 0 : index
    %get3A_3 = arith.constant 0 : index
    %get3A_4 = vector.load %arg1[%get3A_2, %get3A_3] : memref<32x2048xf32, #tpu.memory_space<vmem>>, vector<32x2048xf32>
    %dot_general3A = arith.constant dense<0.000000e+00> : vector<64x2048xf32>
    %dot_general3A_5 = tpu.matmul %get3A_1, %get3A_4, %dot_general3A {dimension_numbers = #tpu.dot_dimension_numbers<[1], [0], [0], [1], [0, 0, 1, 1], [], []>, transpose_lhs_hint = false} : vector<64x32xf32>, vector<32x2048xf32>, vector<64x2048xf32> -> vector<64x2048xf32>
    %get3A_6 = arith.constant 0 : index
    %get3A_7 = arith.constant 0 : index
    %get3A_8 = vector.load %arg4[%get3A_6, %get3A_7] : memref<64x32xf32, #tpu.memory_space<vmem>>, vector<64x32xf32>
    %get3A_9 = arith.constant 0 : index
    %get3A_10 = arith.constant 0 : index
    %get3A_11 = vector.load %arg2[%get3A_9, %get3A_10] : memref<32x2048xf32, #tpu.memory_space<vmem>>, vector<32x2048xf32>
    %dot_general3A_12 = arith.constant dense<0.000000e+00> : vector<64x2048xf32>
    %dot_general3A_13 = tpu.matmul %get3A_8, %get3A_11, %dot_general3A_12 {dimension_numbers = #tpu.dot_dimension_numbers<[1], [0], [0], [1], [0, 0, 1, 1], [], []>, transpose_lhs_hint = false} : vector<64x32xf32>, vector<32x2048xf32>, vector<64x2048xf32> -> vector<64x2048xf32>
    %add3A = arith.addf %dot_general3A_5, %dot_general3A_13 : vector<64x2048xf32>
    %get3A_14 = arith.constant 0 : index
    %get3A_15 = arith.constant 0 : index
    %get3A_16 = vector.load %arg5[%get3A_14, %get3A_15] : memref<64x1xf32, #tpu.memory_space<vmem>>, vector<64x1xf32>
    %add3A_17 = vector.broadcast %get3A_16 : vector<64x1xf32> to vector<64x2048xf32>
    %add3A_18 = arith.addf %add3A, %add3A_17 : vector<64x2048xf32>
    %max3A = arith.constant 0.000000e+00 : f32
    %max3A_19 = vector.broadcast %max3A : f32 to vector<64x2048xf32>
    %max3A_20 = arith.maximumf %add3A_18, %max3A_19 : vector<64x2048xf32>
    %get3A_21 = arith.constant 0 : index
    %get3A_22 = arith.constant 0 : index
    %get3A_23 = vector.load %arg6[%get3A_21, %get3A_22] : memref<64x64xf32, #tpu.memory_space<vmem>>, vector<64x64xf32>
    %dot_general3A_24 = arith.constant dense<0.000000e+00> : vector<64x2048xf32>
    %dot_general3A_25 = tpu.matmul %get3A_23, %max3A_20, %dot_general3A_24 {dimension_numbers = #tpu.dot_dimension_numbers<[1], [0], [0], [1], [0, 0, 1, 1], [], []>, transpose_lhs_hint = false} : vector<64x64xf32>, vector<64x2048xf32>, vector<64x2048xf32> -> vector<64x2048xf32>
    %get3A_26 = arith.constant 0 : index
    %get3A_27 = arith.constant 0 : index
    %get3A_28 = vector.load %arg7[%get3A_26, %get3A_27] : memref<64x1xf32, #tpu.memory_space<vmem>>, vector<64x1xf32>
    %add3A_29 = vector.broadcast %get3A_28 : vector<64x1xf32> to vector<64x2048xf32>
    %add3A_30 = arith.addf %dot_general3A_25, %add3A_29 : vector<64x2048xf32>
    %max3A_31 = arith.constant 0.000000e+00 : f32
    %max3A_32 = vector.broadcast %max3A_31 : f32 to vector<64x2048xf32>
    %max3A_33 = arith.maximumf %add3A_30, %max3A_32 : vector<64x2048xf32>
    %get3A_34 = arith.constant 0 : index
    %get3A_35 = arith.constant 0 : index
    %get3A_36 = vector.load %arg8[%get3A_34, %get3A_35] : memref<8x64xf32, #tpu.memory_space<vmem>>, vector<8x64xf32>
    %dot_general3A_37 = arith.constant dense<0.000000e+00> : vector<8x2048xf32>
    %dot_general3A_38 = tpu.matmul %get3A_36, %max3A_33, %dot_general3A_37 {dimension_numbers = #tpu.dot_dimension_numbers<[1], [0], [0], [1], [0, 0, 1, 1], [], []>, transpose_lhs_hint = false} : vector<8x64xf32>, vector<64x2048xf32>, vector<8x2048xf32> -> vector<8x2048xf32>
    %slice3A = vector.extract_strided_slice %dot_general3A_38 {offsets = [0, 0], sizes = [1, 2048], strides = [1, 1]} : vector<8x2048xf32> to vector<1x2048xf32>
    %get3A_39 = arith.constant 0 : index
    %get3A_40 = arith.constant 0 : index
    %get3A_41 = vector.load %arg9[%get3A_39, %get3A_40] : memref<1x1xf32, #tpu.memory_space<vmem>>, vector<1x1xf32>
    %add3A_42 = vector.broadcast %get3A_41 : vector<1x1xf32> to vector<1x2048xf32>
    %add3A_43 = arith.addf %slice3A, %add3A_42 : vector<1x2048xf32>
    %logistic3A = arith.negf %add3A_43 : vector<1x2048xf32>
    %logistic3A_44 = math.exp %logistic3A : vector<1x2048xf32>
    %logistic3A_45 = arith.constant 1.000000e+00 : f32
    %logistic3A_46 = vector.broadcast %logistic3A_45 : f32 to vector<1x2048xf32>
    %logistic3A_47 = arith.addf %logistic3A_46, %logistic3A_44 : vector<1x2048xf32>
    %logistic3A_48 = arith.divf %logistic3A_46, %logistic3A_47 : vector<1x2048xf32>
    %swap3A = arith.constant 0 : index
    %swap3A_49 = arith.constant 0 : index
    %swap3A_50 = vector.load %arg10[%swap3A, %swap3A_49] : memref<1x2048xf32, #tpu.memory_space<vmem>>, vector<1x2048xf32>
    tpu.vector_store %arg10[%swap3A, %swap3A_49], %logistic3A_48 {strides = array<i32>} : memref<1x2048xf32, #tpu.memory_space<vmem>>, vector<1x2048xf32>,
    return
  }
  func.func @transform_0(%arg0: i32) -> (i32, i32) {
    %c0_i32 = arith.constant 0 : i32
    %c0_i32_0 = arith.constant 0 : i32
    return %c0_i32, %arg0 : i32, i32
  }
  func.func @transform_1(%arg0: i32) -> (i32, i32) {
    %c0_i32 = arith.constant 0 : i32
    %c0_i32_0 = arith.constant 0 : i32
    return %c0_i32, %arg0 : i32, i32
  }
  func.func @transform_2(%arg0: i32) -> (i32, i32) {
    %c0_i32 = arith.constant 0 : i32
    %c0_i32_0 = arith.constant 0 : i32
    %c0_i32_1 = arith.constant 0 : i32
    return %c0_i32, %c0_i32_0 : i32, i32
  }
  func.func @transform_3(%arg0: i32) -> (i32, i32) {
    %c0_i32 = arith.constant 0 : i32
    %c0_i32_0 = arith.constant 0 : i32
    %c0_i32_1 = arith.constant 0 : i32
    return %c0_i32, %c0_i32_0 : i32, i32
  }
  func.func @transform_4(%arg0: i32) -> (i32, i32) {
    %c0_i32 = arith.constant 0 : i32
    %c0_i32_0 = arith.constant 0 : i32
    %c0_i32_1 = arith.constant 0 : i32
    return %c0_i32, %c0_i32_0 : i32, i32
  }
  func.func @transform_5(%arg0: i32) -> (i32, i32) {
    %c0_i32 = arith.constant 0 : i32
    %c0_i32_0 = arith.constant 0 : i32
    %c0_i32_1 = arith.constant 0 : i32
    return %c0_i32, %c0_i32_0 : i32, i32
  }
  func.func @transform_6(%arg0: i32) -> (i32, i32) {
    %c0_i32 = arith.constant 0 : i32
    %c0_i32_0 = arith.constant 0 : i32
    %c0_i32_1 = arith.constant 0 : i32
    return %c0_i32, %c0_i32_0 : i32, i32
  }
  func.func @transform_7(%arg0: i32) -> (i32, i32) {
    %c0_i32 = arith.constant 0 : i32
    %c0_i32_0 = arith.constant 0 : i32
    %c0_i32_1 = arith.constant 0 : i32
    return %c0_i32, %c0_i32_0 : i32, i32
  }
  func.func @transform_8(%arg0: i32) -> (i32, i32) {
    %c0_i32 = arith.constant 0 : i32
    %c0_i32_0 = arith.constant 0 : i32
    %c0_i32_1 = arith.constant 0 : i32
    return %c0_i32, %c0_i32_0 : i32, i32
  }
  func.func @transform_9(%arg0: i32) -> (i32, i32) {
    %c0_i32 = arith.constant 0 : i32
    %c0_i32_0 = arith.constant 0 : i32
    return %c0_i32, %arg0 : i32, i32
  }
}

</mosaic_0001>

<sc_bundles>
// kernel: kernel.4.cloned.1.call-start
scs
__scs_entry_jumppad:
0x0: {  	(pc) =	sbr.rel $0x88, $3  }
0x1: {  	(tag) =	ssettag $0x0;
	lr =	simm.s32 $0x1  }
0x2: {  	[smem:$0x3F93] =	sst lr;
	_ =	strace $0xD0000000  }
0x3: {  	_ = 	snop  }
0x4: {  	_ = 	snop  }
0x5: {  	_ = 	snop  }
0x6: {  	_ = 	snop  }
0x7: {  	_ = 	snop  }
__scs_overlays_trampoline_lowered:
0x8: {  	[smem:$0x3FA2] =	sst s0  }
0x9: {  	[smem:$0x3FA3] =	sst s1  }
0xa: {  	[smem:$0x3FA4] =	sst s2  }
0xb: {  	[smem:$0x3FA5] =	sst s3  }
0xc: {  	[smem:$0x3FA6] =	sst s4  }
0xd: {  	[smem:$0x3FA7] =	sst s5  }
0xe: {  	[smem:$0x3FA8] =	sst s6  }
0xf: {  	[smem:$0x3FA9] =	sst s7  }
0x10: {  	[smem:$0x3FAA] =	sst s8  }
0x11: {  	[smem:$0x3FAB] =	sst s9;
	s0 =	simm.s32 @!p0 $0x0  }
0x12: {  	s1 =	sld [smem:$0x3F91];
	s0 =	simm.s32 @p0 $0x1  }
0x13: {  	[smem:$0x3FAC] =	sst s0;
	s0 =	simm.s32 @!p1 $0x0  }
0x14: {  	s2 =	sld [smem:$0x3F90];
	s0 =	simm.s32 @p1 $0x1  }
0x15: {  	[smem:$0x3FAD] =	sst s0;
	s0 =	simm.s32 @!p2 $0x0  }
0x16: {  	s3 =	sld [smem:$0x3FDB];
	s0 =	simm.s32 @p2 $0x1  }
0x17: {  	s4 =	simm.s32 $0x1BF5;
	[smem:$0x3FAF] =	sst s0  }
0x18: {  	s0 =	sld [smem:$0x3F92];
	_ =	swait.ge [sflag:s4], $0x0  }
0x19: {  	s7 =	sld [smem:$0x3F93]  }
0x1a: {  	s8 =	sadd.s32 $0xFFFFE003, lr  }
0x1b: {  	s9 =	sadd.s32 $0xFFFFFEF7, lr;
	s5 =	simm.s32 $0xFFFFFFFF;
	p2 =	slt.u32 s8, $0xFFFFF086  }
0x1c: {  	p1 =	slt.u32 s9, $0xF7A;
	s5 =	simm.s32 @!p2 $0x0  }
0x1d: {  	s5 =	simm.s32 @p1 $0x1;
	p0 =	seq.s32 s7, s2  }
0x1e: {  	s7 =	smul.u32 @!p0 $0xF7A, s2;
	p2 =	seq.s32 @!p0 s5, $0x0  }
0x1f: {  	s9 =	smul.u32 $0xF7A, s1;
	s8 =	simm.s32 @!p0 $0x1BF5;
	p2 =	por !p2, p0  }
0x20: {  	[sflag:s8] =	ssyncset.s32 @!p0 $0xFFFFF086;
	s6 =	sadd.s32 @!p0 s3, s7;
	s7 =	simm.s32 @!p0 $0x108  }
0x21: {  	s3 =	sadd.s32 s3, s9;
	s6 =	sadd.s32 @!p0 $0x88, s6;
	s7 =	simm.s32 @p2 $0x1082  }
0x22: {  	[simem:s7], [sflag:s8] =	dma.local @!p0 [hbm:s6], $0xF7A  }
0x23: {  	s9 =	sor.u32 $0xD0000000, s2;
	s6 =	simm.s32 $0x108;
	_ =	swait.ge @!p0 [sflag:s8], $0x0  }
0x24: {  	s3 =	sadd.s32 $0x88, s3;
	s6 =	simm.s32 @!p1 $0x1082;
	[sflag:s4] =	ssyncset.s32 $0xFFFFF086  }
0x25: {  	[simem:s6], [sflag:s4] =	dma.local [hbm:s3], $0xF7A  }
0x26: {  	[smem:$0x3F93] =	sst s1;
	(tag) =	ssettag s2;
	_ =	strace s9  }
0x27: {  	s1 =	sld [smem:$0x3FA3]  }
0x28: {  	s2 =	sld [smem:$0x3FA4]  }
0x29: {  	s4 =	sld [smem:$0x3FA6]  }
0x2a: {  	p0 =	seq.s32 s5, $0x0;
	s5 =	sld [smem:$0x3FA7]  }
0x2b: {  	s6 =	sld [smem:$0x3FA8]  }
0x2c: {  	s7 =	sld [smem:$0x3FA9]  }
0x2d: {  	s3 =	simm.s32 $0x108;
	s8 =	sld [smem:$0x3FAA]  }
0x2e: {  	s3 =	simm.s32 @!p0 $0x1082;
	s9 =	sld [smem:$0x3FAB]  }
0x2f: {  	lr =	sadd.s32 s0, s3;
	s0 =	sld [smem:$0x3FA2]  }
0x30: {  	s3 =	sld [smem:$0x3FA5]  }
0x31: {  	[smem:$0x3FAE] =	sst s10  }
0x32: {  	s10 =	sld [smem:$0x3FAC];
	_ =	sdelay $0x3  }
0x33: {  	p0 =	seq.s32 s10, $0x1;
	s10 =	sld [smem:$0x3FAE];
	_ =	sdelay $0x3  }
0x34: {  	[smem:$0x3FAE] =	sst s10  }
0x35: {  	s10 =	sld [smem:$0x3FAD];
	_ =	sdelay $0x3  }
0x36: {  	p1 =	seq.s32 s10, $0x1;
	s10 =	sld [smem:$0x3FAE];
	_ =	sdelay $0x3  }
0x37: {  	[smem:$0x3FAE] =	sst s10  }
0x38: {  	s10 =	sld [smem:$0x3FAF]  }
0x39: {  	_ = 	snop;
	(pc) =	sbr.ind lr, $3  }
0x3a: {  	_ = 	snop  }
0x3b: {  	_ = 	snop  }
0x3c: {  	p2 =	seq.s32 s10, $0x1;
	s10 =	sld [smem:$0x3FAE]  }
0x3d: {  	_ =	shalt  }
0x3e: {  	_ =	shalt  }
0x3f: {  	_ =	shalt  }
0x40: {  	_ =	shalt  }
0x41: {  	_ =	shalt  }
0x42: {  	_ =	shalt  }
0x43: {  	_ =	shalt  }
0x44: {  	_ =	shalt  }
0x45: {  	_ =	shalt  }
0x46: {  	_ =	shalt  }
0x47: {  	_ =	shalt  }
0x48: {  	_ =	shalt  }
0x49: {  	_ =	shalt  }
0x4a: {  	_ =	shalt  }
0x4b: {  	_ =	shalt  }
0x4c: {  	_ =	shalt  }
0x4d: {  	_ =	shalt  }
0x4e: {  	_ =	shalt  }
0x4f: {  	_ =	shalt  }
0x50: {  	_ =	shalt  }
0x51: {  	_ =	shalt  }
0x52: {  	_ =	shalt  }
0x53: {  	_ =	shalt  }
0x54: {  	_ =	shalt  }
0x55: {  	_ =	shalt  }
0x56: {  	_ =	shalt  }
0x57: {  	_ =	shalt  }
0x58: {  	_ =	shalt  }
0x59: {  	_ =	shalt  }
0x5a: {  	_ =	shalt  }
0x5b: {  	_ =	shalt  }
0x5c: {  	_ =	shalt  }
0x5d: {  	_ =	shalt  }
0x5e: {  	_ =	shalt  }
0x5f: {  	_ =	shalt  }
0x60: {  	_ =	shalt  }
0x61: {  	_ =	shalt  }
0x62: {  	_ =	shalt  }
0x63: {  	_ =	shalt  }
0x64: {  	_ =	shalt  }
0x65: {  	_ =	shalt  }
0x66: {  	_ =	shalt  }
0x67: {  	_ =	shalt  }
0x68: {  	_ =	shalt  }
0x69: {  	_ =	shalt  }
0x6a: {  	_ =	shalt  }
0x6b: {  	_ =	shalt  }
0x6c: {  	_ =	shalt  }
0x6d: {  	_ =	shalt  }
0x6e: {  	_ =	shalt  }
0x6f: {  	_ =	shalt  }
0x70: {  	_ =	shalt  }
0x71: {  	_ =	shalt  }
0x72: {  	_ =	shalt  }
0x73: {  	_ =	shalt  }
0x74: {  	_ =	shalt  }
0x75: {  	_ =	shalt  }
0x76: {  	_ =	shalt  }
0x77: {  	_ =	shalt  }
0x78: {  	_ =	shalt  }
0x79: {  	_ =	shalt  }
0x7a: {  	_ =	shalt  }
0x7b: {  	_ =	shalt  }
0x7c: {  	_ =	shalt  }
0x7d: {  	_ =	shalt  }
0x7e: {  	_ =	shalt  }
0x7f: {  	_ =	shalt  }
0x80: {  	_ =	shalt  }
0x81: {  	_ =	shalt  }
0x82: {  	_ =	shalt  }
0x83: {  	_ =	shalt  }
0x84: {  	_ =	shalt  }
0x85: {  	_ =	shalt  }
0x86: {  	_ =	shalt  }
0x87: {  	_ =	shalt  }
.Lfunc_end0:
.L_simem_size_0:
called_computation_lowered:
.L_overlay_start_0:
0x88: {  	s2 =	sld [smem:$0x3FD9]  }
0x89: {  	s3 =	sld [smem:$0x3FFE];
	_ =	sdelay $0x1  }
0x8a: {  	s1 =	srdreg.scid  }
0x8b: {  	s0 =	sand.u32 $0x1, s1  }
0x8c: {  	s17 =	sshll.u32 s0, $0xA;
	s2 =	sadd.s32 s3, s2  }
0x8d: {  	s2 =	sadd.s32 s2, s17  }
0x8e: {  	[smem:$0x3FBA] =	sst s2  }
0x8f: {  	_ = 	snop  }
0x90: {  	s2 =	sld [smem:$0x3FC9]  }
0x91: {  	s18 =	sld [smem:$0x3FC8]  }
0x92: {  	s4 =	sld [smem:$0x3FC7]  }
0x93: {  	s5 =	sld [smem:$0x3FC6];
	(tm) =	ssettm $0x1  }
0x94: {  	s6 =	sld [smem:$0x3FFB];
	_ =	sdelay $0x3  }
0x95: {  	_ =	strace s6  }
0x96: {  	s6 =	sld [smem:$0x3FFC];
	_ =	sdelay $0x3  }
0x97: {  	_ =	strace s6  }
0x98: {  	s6 =	sld [smem:$0x3FFD];
	_ =	sdelay $0x3  }
0x99: {  	_ =	strace s6  }
0x9a: {  	_ =	strace $0x8FFFFFFF  }
0x9b: {  	s19 =	sld [smem:$0x3FDB];
	_ =	sdelay $0x1  }
0x9c: {  	s7 =	simm.s32 $_scs_section_size  }
0x9d: {  	s8 =	simm.s32 $_size__tile_overlayer_lowered;
	s9 =	simm.s32 $_tile_overlayer_lowered  }
0x9e: {  	s22 =	simm.s32 $0x1BFF;
	s21 =	sshll.u32 s9, $0x1;
	s6 =	sadd.s32 s7, s19  }
0x9f: {  	s10 =	simm.s32 $0x0;
	s20 =	sshll.u32 s8, $0x1;
	s8 =	sadd.s32 s21, s6  }
0xa0: {  	[timem:s10], [sflag:s22] =	dma.local [hbm:s8], s20  }
0xa1: {  	_ =	swait.ge [sflag:s22], s20  }
0xa2: {  	s7 =	ssub.s32 $0x0, s20;
	[sflag:s22] =	ssyncset.done $0x0  }
0xa3: {  	[sflag:s22] =	ssyncadd.s32 s7;
	_ =	sdelay $0x1  }
0xa4: {  	s23 =	simm.s32 $0x1B8B  }
0xa5: {  	_ =	swait.ge [sflag:s23], $0x1  }
0xa6: {  	[sflag:s23] =	ssyncset.done $0x0  }
0xa7: {  	s25 =	simm.s32 $0x1B8E;
	s24 =	sld [smem:$0x3FFE];
	[sflag:s23] =	ssyncadd.s32 $0xFFFFFFFF  }
0xa8: {  	s26 =	simm.s32 $execute0_lowered;
	[smem:$0x3FD2] =	sst s25  }
0xa9: {  	s8 =	sshll.u32 s26, $0x1;
	_ =	strace $0x80000046;
	[dreg:$0x1] =	wrdreg $0xFFFFFFFF  }
0xaa: {  	s28 =	simm.s32 $_size_execute0_lowered;
	s6 =	sadd.s32 s6, s8;
	[dreg:$0x0] =	wrdreg $0x0  }
0xab: {  	s8 =	sshll.u32 s28, $0x1;
	[dreg:$0x2] =	wrdreg s6  }
0xac: {  	[dreg:$0x3] =	wrdreg s8  }
0xad: {  	[dreg:$0x4] =	wrdreg $0xC0  }
0xae: {  	_ =	task [dreg:s10], $0x5FFFF  }
0xaf: {  	[dreg:$0x1] =	wrdreg $0xFFFFFFFF  }
0xb0: {  	[dreg:$0x0] =	wrdreg $0x60  }
0xb1: {  	[dreg:$0x2] =	wrdreg s2  }
0xb2: {  	[dreg:$0x3] =	wrdreg s18  }
0xb3: {  	[dreg:$0x4] =	wrdreg s4  }
0xb4: {  	[dreg:$0x5] =	wrdreg s5  }
0xb5: {  	[dreg:$0x6] =	wrdreg s24  }
0xb6: {  	[dreg:$0x7] =	wrdreg $0x9  }
0xb7: {  	_ =	task.clear_ibuf [dreg:s10], $0x8FFFF;
	_ =	strace $0x90000046  }
0xb8: {  	s29 =	simm.s32 $0x9;
	_ =	strace $0x80000048  }
0xb9: {  	_ =	swait.ge [sflag:s29], $0x1  }
0xba: {  	[sflag:s29] =	ssyncadd.s32 $0xFFFFFFFF  }
0xbb: {  	_ =	strace $0x90000048  }
0xbc: {  	_ =	sfence  }
0xbd: {  	s30 =	sld [smem:$0x0];
	_ =	sdelay $0x2  }
0xbe: {  	s31 =	sshll.u32 s1, $0xD;
	s1 =	sshrl.u32 s1, $0x2  }
0xbf: {  	s3 =	sand.u32 $0x4000, s31;
	s1 =	sadd.s32 s1, s30  }
0xc0: {  	s0 =	sor.u32 s3, s0;
	s1 =	sshll.u32 s1, $0x11  }
0xc1: {  	s0 =	sor.u32 s1, s0  }
0xc2: {  	s0 =	sadd.s32 $0x8F2B, s0  }
0xc3: {  	[sflag:s0] =	ssyncadd.remote.s32 $0x1  }
0xc4: {  	_ =	sfence.sel $0xFFFF  }
0xc5: {  	[dreg:$0x0] =	wrdreg $0xFFFFFFFF;
	(pc) =	sbr.abs _section_cstart, $3  }
0xc6: {  	[dreg:$0x1] =	wrdreg $0xFFFFFFFF  }
0xc7: {  	_ =	task.clear_ibuf [dreg:s10], $0x2FFFF;
	_ =	strace $0x9FFFFFFF  }
0xc8: {  	(tm) =	ssettm $0x7FFFFFFF  }
0xc9: {  	_ =	shalt  }
tec
execute0_lowered:
.L_overlay_start_1:
0x0: {  	(tag) =	ssettag $0x1  }
0x1: {  	s5 =	rddreg [dreg:$0x0]  }
0x2: {  	s6 =	rddreg [dreg:$0x1];
	v0 =	vlaneseq.u32  }
0x3: {  	s1 =	rddreg [dreg:$0x2];
	v1 =	vmul.u32 $0x1000, v0  }
0x4: {  	s2 =	rddreg [dreg:$0x3]  }
0x5: {  	s7 =	rddreg [dreg:$0x4];
	v2 =	vor.u32 $0x80, v1  }
0x6: {  	s0 =	rddreg [dreg:$0x5];
	s8 =	srdreg.scid;
	v3 =	vor.u32 $0x100, v1;
	v4 =	vor.u32 $0x180, v1;
	v5 =	vor.u32 $0x200, v1  }
0x7: {  	s4 =	simm.s32 $0x0;
	s3 =	stileid.u32;
	s12 =	simm.s32 $0x400;
	v6 =	vor.u32 $0x280, v1;
	v7 =	vor.u32 $0x300, v1;
	v8 =	vor.u32 $0x380, v1  }
0x8: {  	s13 =	simm.s32 $0x1;
	s14 =	simm.s32 $0x7A1400;
	s15 =	simm.s32 $0x1000;
	v9 =	vor.u32 $0x400, v1;
	v10 =	vor.u32 $0x480, v1;
	v11 =	vor.u32 $0x500, v1  }
0x9: {  	s16 =	simm.s32 $0x20000;
	s17 =	simm.s32 $0x10400;
	s8 =	sand.u32 $0x1, s8;
	v12 =	vor.u32 $0x580, v1;
	v13 =	vor.u32 $0x600, v1;
	v14 =	vor.u32 $0x680, v1  }
0xa: {  	s18 =	simm.s32 $0x0;
	s9 =	sshll.u32 s3, $0xA;
	s10 =	sshll.u32 s8, $0x9;
	v15 =	vor.u32 $0x700, v1;
	v16 =	vor.u32 $0x780, v1;
	v17 =	vor.u32 $0x800, v1  }
0xb: {  	[smem:$0x7FF] =	sst s4;
	s8 =	ssub.s32 $0x2, s8;
	s9 =	sor.u32 s10, s9;
	v18 =	vor.u32 $0x880, v1;
	v19 =	vor.u32 $0x900, v1;
	v20 =	vor.u32 $0x980, v1  }
0xc: {  	s31 =	sshrl.u32 s8, $0x1;
	v21 =	vor.u32 $0xA00, v1;
	v22 =	vor.u32 $0xA80, v1;
	v23 =	vor.u32 $0xB00, v1;
	s10 =	sadd.s32 s9, s7;
	s9 =	sshrl.u32 s9, $0x3  }
0xd: {  	_ =	strace $0x80000047;
	v24 =	vor.u32 $0xB80, v1;
	v25 =	vor.u32 $0xC00, v1;
	v26 =	vor.u32 $0xC80, v1;
	s11 =	ssub.s32 s8, s31;
	s5 =	sadd.s32 s5, s9  }
0xe: {  	v27 =	vor.u32 $0xD00, v1;
	v28 =	vor.u32 $0xD80, v1;
	v29 =	vor.u32 $0xE00, v1;
	s6 =	sadd.s32 s6, s9;
	s7 =	sadd.s32 $0x2000, s10;
	s8 =	sadd.s32 $0x12000, s10  }
0xf: {  	v30 =	vor.u32 $0xE80, v1;
	v31 =	vor.u32 $0xF00, v1;
	v32 =	vor.u32 $0xF80, v1;
	s9 =	smax.u32 s11, $0x1;
	s10 =	simm.s32 $0x2;
	s11 =	simm.s32 $0x200  }
.LBB2_1:
0x10: {  	[tilespmem:s4], [sflag:$0x2] =	stream.linear.gather [hbm4b:s5+s4], $0x200, $0x38;
	[tilespmem:$0x14400] =	vst v63  }
0x11: {  	_ =	swait.ge [sflag:s10], $0x200  }
0x12: {  	[sflag:s10] =	ssyncset.done $0x0  }
0x13: {  	[sflag:s10] =	ssyncadd.s32 $0xFFFFFE00  }
0x14: {  	[tilespmem:s11], [sflag:$0x2] =	stream.linear.gather [hbm4b:s6+s4], $0x200, $0x38;
	[tilespmem:$0x14400] =	vst v63  }
0x15: {  	_ =	swait.ge [sflag:s10], $0x200  }
0x16: {  	[sflag:s10] =	ssyncset.done $0x0  }
0x17: {  	s19 =	simm.s32 $0x0;
	[sflag:s10] =	ssyncadd.s32 $0xFFFFFE00  }
.LBB2_2:
0x18: {  	s20 =	sshll.u32 s19, $0x4  }
0x19: {  	v33 =	vld [tilespmem:s20+$0x0];
	_ =	sdelay $0x2  }
0x1a: {  	s21 =	simm.s32 $0x0  }
0x1b: {  	v35 =	vmov s21  }
0x1c: {  	vm0 =	veq.s32 v35, v0;
	v34 =	vxor.u32 $0x80000000, v33  }
0x1d: {  	s28 =	simm.s32 $0x1;
	v35 =	vnsel vm0, $0x80000000, v34  }
0x1e: {  	v56 =	vmov s28;
	(xrf0) =	vmax.scan.msk.u32 $0xffff, v35  }
0x1f: {  	vm12 =	veq.s32 v56, v0  }
0x20: {  	v35 =	vnsel vm12, $0x80000000, v34  }
0x21: {  	(xrf0) =	vmax.scan.msk.u32 $0xffff, v35;
	_ =	sdelay $0x2  }
0x22: {  	v57, _, _ =	vpop (xrf0)  }
0x23: {  	(v2sf) =	vpush v57, $0xF;
	_ =	sdelay $0x1  }
0x24: {  	v58, _, _ =	vpop (xrf0)  }
0x25: {  	(v2sf) =	vpush v58, $0xF;
	_ =	sdelay $0x1  }
0x26: {  	s29 =	simm.s32 $0x2  }
0x27: {  	v59 =	vmov s29  }
0x28: {  	s30 =	simm.s32 $0x3;
	vm13 =	veq.s32 v59, v0  }
0x29: {  	v60 =	vmov s30;
	v36 =	vnsel vm13, $0x80000000, v34  }
0x2a: {  	vm14 =	veq.s32 v60, v0;
	(xrf0) =	vmax.scan.msk.u32 $0xffff, v36  }
0x2b: {  	v35 =	vnsel vm14, $0x80000000, v34  }
0x2c: {  	(xrf0) =	vmax.scan.msk.u32 $0xffff, v35;
	_ =	sdelay $0x3  }
0x2d: {  	v36, _, _ =	vpop (xrf0);
	s23 =	spop (v2sf)  }
0x2e: {  	(v2sf) =	vpush v36, $0xF;
	s22 =	sxor.u32 $0x80000000, s23  }
0x2f: {  	v62, _, _ =	vpop (xrf0);
	p1 =	slt.s32 s22, $0x1;
	s22 =	sshra.s32 s22, $0x1F  }
0x30: {  	s31 =	sshrl.u32 s22, $0x19;
	s22 =	spop (v2sf);
	(v2sf) =	vpush v62, $0xF  }
0x31: {  	p0 =	sgt.s32 s23, $0xFFFFFFFF;
	s25 =	sand.u32 $0x7F, s23  }
0x32: {  	s24 =	simm.s32 $0x4;
	p6 =	sne.s32 s25, $0x0;
	p0 =	por p0, p1  }
0x33: {  	s21 =	simm.s32 $0x400;
	v61 =	vmov s24;
	p0 =	por !p6, !p0  }
0x34: {  	vm15 =	veq.s32 v61, v0;
	s25 =	simm.s32 $0x1;
	s23 =	sadd.s32 s31, s23;
	p1 =	por !p0, !p0  }
0x35: {  	v63 =	vnsel vm15, $0x80000000, v34;
	s24 =	sand.u32 $0x7F, s22;
	s26 =	sshrl.u32 s23, $0x7;
	s25 =	simm.s32 @!p1 $0x0  }
0x36: {  	(xrf0) =	vmax.scan.msk.u32 $0xffff, v63;
	p0 =	sgt.s32 s22, $0xFFFFFFFF;
	s23 =	simm.s32 $0x5;
	s25 =	ssub.s32 s26, s25  }
.LBB2_3:
0x37: {  	p1 =	sne.s32 s23, $0xF;
	s26 =	sxor.u32 $0x80000000, s22;
	s25 =	sshll.u32 s25, $0x7  }
0x38: {  	s28 =	sshra.s32 s26, $0x1F;
	p2 =	slt.s32 s26, $0x1;
	s25 =	sand.u32 $0x1FFFFF80, s25  }
0x39: {  	p0 =	por p0, p2;
	p2 =	sne.s32 s24, $0x0;
	s24 =	sadd.s32 s1, s25  }
0x3a: {  	[tilespmem:s21], [sflag:$0x1] =	stream.strided.gather [hbm4b:s24+s12], $0x1000, s14, s12, $0x38;
	[tilespmem:$0x14400] =	vst v63  }
.Ltmp0:
0x3b: {  	s26 =	simm.s32 $0x1;
	(pc) =	sbr.rel @p1 .LBB2_3-.Ltmp0, $4  }
0x3c: {  	v36 =	vmov s23;
	s24 =	sshrl.u32 s28, $0x19;
	p0 =	por !p2, !p0;
	s21 =	sadd.s32 $0x1000, s21  }
0x3d: {  	vm0 =	veq.s32 v36, v0;
	s24 =	sadd.s32 s24, s22;
	p2 =	por !p0, !p0;
	v35, _, _ =	vpop (xrf0);
	s22 =	spop (v2sf)  }
0x3e: {  	v36 =	vnsel vm0, $0x80000000, v34;
	s25 =	sshrl.u32 s24, $0x7;
	s26 =	simm.s32 @!p2 $0x0;
	(v2sf) =	vpush v35, $0xF;
	p0 =	sgt.s32 s22, $0xFFFFFFFF  }
0x3f: {  	s23 =	sadd.s32 $0x1, s23;
	s24 =	sand.u32 $0x7F, s22;
	s25 =	ssub.s32 s25, s26;
	(xrf0) =	vmax.scan.msk.u32 $0xffff, v36  }
0x40: {  	s23 =	sxor.u32 $0x80000000, s22;
	s25 =	sshll.u32 s25, $0x7;
	p3 =	sne.s32 s24, $0x0  }
0x41: {  	s28 =	spop (v2sf);
	p1 =	slt.s32 s23, $0x1;
	s31 =	sand.u32 $0x1FFFFF80, s25  }
0x42: {  	s26 =	sshra.s32 s23, $0x1F;
	p0 =	por p0, p1;
	s23 =	sadd.s32 s1, s31  }
0x43: {  	[tilespmem:s21], [sflag:$0x1] =	stream.strided.gather [hbm4b:s23+s12], $0x1000, s14, s12, $0x38;
	[tilespmem:$0x14400] =	vst v63  }
0x44: {  	p4 =	sgt.s32 s28, $0xFFFFFFFF;
	s25 =	sshrl.u32 s26, $0x19;
	p0 =	por !p3, !p0  }
0x45: {  	s26 =	sadd.s32 s25, s22;
	s23 =	simm.s32 $0x1;
	p0 =	por !p0, !p0  }
0x46: {  	s30 =	sxor.u32 $0x80000000, s28;
	s22 =	sshrl.u32 s26, $0x7;
	s23 =	simm.s32 @!p0 $0x0  }
0x47: {  	s29 =	sand.u32 $0x7F, s28;
	s31 =	sshra.s32 s30, $0x1F;
	s22 =	ssub.s32 s22, s23  }
0x48: {  	p5 =	slt.s32 s30, $0x1;
	p6 =	sne.s32 s29, $0x0;
	v34, _, _ =	vpop (xrf0);
	s22 =	sshll.u32 s22, $0x7  }
0x49: {  	s21 =	sadd.s32 $0x1000, s21;
	p0 =	por p4, p5;
	(v2sf) =	vpush v34, $0xF;
	s22 =	sand.u32 $0x1FFFFF80, s22  }
0x4a: {  	s26 =	sshrl.u32 s31, $0x19;
	p0 =	por !p6, !p0;
	s22 =	sadd.s32 s1, s22  }
0x4b: {  	[tilespmem:s21], [sflag:$0x1] =	stream.strided.gather [hbm4b:s22+s12], $0x1000, s14, s12, $0x38;
	[tilespmem:$0x14400] =	vst v63  }
0x4c: {  	s23 =	simm.s32 $0x1;
	p0 =	por !p0, !p0;
	s22 =	sadd.s32 s26, s28  }
0x4d: {  	s23 =	simm.s32 @!p0 $0x0;
	s22 =	sshrl.u32 s22, $0x7  }
0x4e: {  	s22 =	ssub.s32 s22, s23  }
0x4f: {  	s21 =	sadd.s32 $0x1000, s21;
	s28 =	spop (v2sf);
	s22 =	sshll.u32 s22, $0x7  }
0x50: {  	p1 =	sgt.s32 s28, $0xFFFFFFFF;
	s29 =	sand.u32 $0x7F, s28;
	s30 =	sxor.u32 $0x80000000, s28  }
0x51: {  	s22 =	sand.u32 $0x1FFFFF80, s22;
	s31 =	sshra.s32 s30, $0x1F;
	p2 =	slt.s32 s30, $0x1  }
0x52: {  	p3 =	sne.s32 s29, $0x0;
	s22 =	sadd.s32 s1, s22;
	p0 =	por p1, p2  }
0x53: {  	[tilespmem:s21], [sflag:$0x1] =	stream.strided.gather [hbm4b:s22+s12], $0x1000, s14, s12, $0x38;
	[tilespmem:$0x14400] =	vst v63  }
0x54: {  	s26 =	sshrl.u32 s31, $0x19;
	p0 =	por !p3, !p0  }
0x55: {  	s23 =	simm.s32 $0x1;
	s22 =	sadd.s32 s26, s28;
	p0 =	por !p0, !p0  }
0x56: {  	s22 =	sshrl.u32 s22, $0x7;
	s23 =	simm.s32 @!p0 $0x0  }
0x57: {  	s22 =	ssub.s32 s22, s23  }
0x58: {  	s21 =	sadd.s32 $0x1000, s21;
	s28 =	spop (v2sf);
	s22 =	sshll.u32 s22, $0x7  }
0x59: {  	p4 =	sgt.s32 s28, $0xFFFFFFFF;
	s29 =	sand.u32 $0x7F, s28;
	s30 =	sxor.u32 $0x80000000, s28  }
0x5a: {  	s22 =	sand.u32 $0x1FFFFF80, s22;
	s31 =	sshra.s32 s30, $0x1F;
	p5 =	slt.s32 s30, $0x1  }
0x5b: {  	p6 =	sne.s32 s29, $0x0;
	s22 =	sadd.s32 s1, s22;
	p0 =	por p4, p5  }
0x5c: {  	[tilespmem:s21], [sflag:$0x1] =	stream.strided.gather [hbm4b:s22+s12], $0x1000, s14, s12, $0x38;
	[tilespmem:$0x14400] =	vst v63  }
0x5d: {  	s26 =	sshrl.u32 s31, $0x19;
	p0 =	por !p6, !p0  }
0x5e: {  	s23 =	simm.s32 $0x1;
	s22 =	sadd.s32 s26, s28;
	p0 =	por !p0, !p0  }
0x5f: {  	s22 =	sshrl.u32 s22, $0x7;
	s23 =	simm.s32 @!p0 $0x0  }
0x60: {  	s22 =	ssub.s32 s22, s23  }
0x61: {  	s22 =	sshll.u32 s22, $0x7  }
0x62: {  	s22 =	sand.u32 $0x1FFFFF80, s22  }
0x63: {  	s21 =	sadd.s32 $0x1000, s21;
	s22 =	sadd.s32 s1, s22  }
0x64: {  	[tilespmem:s21], [sflag:$0x1] =	stream.strided.gather [hbm4b:s22+s12], $0x1000, s14, s12, $0x38;
	[tilespmem:$0x14400] =	vst v63  }
0x65: {  	_ =	swait.ge [sflag:s13], $0x1000  }
0x66: {  	[sflag:s13] =	ssyncset.done $0x0  }
0x67: {  	[sflag:s13] =	ssyncadd.s32 $0xFFFFF000  }
0x68: {  	_ =	swait.ge [sflag:s13], $0x1000  }
0x69: {  	[sflag:s13] =	ssyncset.done $0x0  }
0x6a: {  	[sflag:s13] =	ssyncadd.s32 $0xFFFFF000  }
0x6b: {  	_ =	swait.ge [sflag:s13], $0x1000  }
0x6c: {  	[sflag:s13] =	ssyncset.done $0x0  }
0x6d: {  	[sflag:s13] =	ssyncadd.s32 $0xFFFFF000  }
0x6e: {  	_ =	swait.ge [sflag:s13], $0x1000  }
0x6f: {  	[sflag:s13] =	ssyncset.done $0x0  }
0x70: {  	[sflag:s13] =	ssyncadd.s32 $0xFFFFF000  }
0x71: {  	_ =	swait.ge [sflag:s13], $0x1000  }
0x72: {  	[sflag:s13] =	ssyncset.done $0x0  }
0x73: {  	[sflag:s13] =	ssyncadd.s32 $0xFFFFF000  }
0x74: {  	_ =	swait.ge [sflag:s13], $0x1000  }
0x75: {  	[sflag:s13] =	ssyncset.done $0x0  }
0x76: {  	[sflag:s13] =	ssyncadd.s32 $0xFFFFF000  }
0x77: {  	_ =	swait.ge [sflag:s13], $0x1000  }
0x78: {  	[sflag:s13] =	ssyncset.done $0x0  }
0x79: {  	[sflag:s13] =	ssyncadd.s32 $0xFFFFF000  }
0x7a: {  	_ =	swait.ge [sflag:s13], $0x1000  }
0x7b: {  	[sflag:s13] =	ssyncset.done $0x0  }
0x7c: {  	[sflag:s13] =	ssyncadd.s32 $0xFFFFF000  }
0x7d: {  	_ =	swait.ge [sflag:s13], $0x1000  }
0x7e: {  	[sflag:s13] =	ssyncset.done $0x0  }
0x7f: {  	[sflag:s13] =	ssyncadd.s32 $0xFFFFF000  }
0x80: {  	_ =	swait.ge [sflag:s13], $0x1000  }
0x81: {  	[sflag:s13] =	ssyncset.done $0x0  }
0x82: {  	[sflag:s13] =	ssyncadd.s32 $0xFFFFF000  }
0x83: {  	_ =	swait.ge [sflag:s13], $0x1000  }
0x84: {  	[sflag:s13] =	ssyncset.done $0x0  }
0x85: {  	[sflag:s13] =	ssyncadd.s32 $0xFFFFF000  }
0x86: {  	_ =	swait.ge [sflag:s13], $0x1000  }
0x87: {  	[sflag:s13] =	ssyncset.done $0x0  }
0x88: {  	[sflag:s13] =	ssyncadd.s32 $0xFFFFF000  }
0x89: {  	_ =	swait.ge [sflag:s13], $0x1000  }
0x8a: {  	[sflag:s13] =	ssyncset.done $0x0  }
0x8b: {  	[sflag:s13] =	ssyncadd.s32 $0xFFFFF000  }
0x8c: {  	_ =	swait.ge [sflag:s13], $0x1000  }
0x8d: {  	[sflag:s13] =	ssyncset.done $0x0  }
0x8e: {  	[sflag:s13] =	ssyncadd.s32 $0xFFFFF000  }
0x8f: {  	v33 =	vand.u32 $0x7F, v33;
	_ =	swait.ge [sflag:s13], $0x1000  }
0x90: {  	v62 =	vor.u32 v1, v33;
	[sflag:s13] =	ssyncset.done $0x0  }
0x91: {  	[sflag:s13] =	ssyncadd.s32 $0xFFFFF000  }
0x92: {  	_ =	swait.ge [sflag:s13], $0x1000  }
0x93: {  	[sflag:s13] =	ssyncset.done $0x0  }
0x94: {  	[sflag:s13] =	ssyncadd.s32 $0xFFFFF000  }
0x95: {  	v34 =	vld.idx.msk [tilespmem:v62+s12+$0x0], $0xffff  }
0x96: {  	v35 =	vor.u32 v2, v33  }
0x97: {  	s28 =	sshll.u32 s19, $0x7  }
0x98: {  	s29 =	sand.u32 $0x70, s20;
	s30 =	sand.u32 $0xC00, s28  }
0x99: {  	s21 =	sor.u32 s29, s30  }
0x9a: {  	[tilespmem:s21+$0x10400] =	vst v34  }
0x9b: {  	v34 =	vld.idx.msk [tilespmem:v35+s12+$0x0], $0xffff  }
0x9c: {  	v63 =	vor.u32 v3, v33;
	_ =	sdelay $0x2  }
0x9d: {  	s23 =	sadd.s32 $0x10400, s21  }
0x9e: {  	[tilespmem:s23+$0x80] =	vst v34  }
0x9f: {  	v34 =	vld.idx.msk [tilespmem:v63+s12+$0x0], $0xffff  }
0xa0: {  	v36 =	vor.u32 v4, v33;
	_ =	sdelay $0x3  }
0xa1: {  	[tilespmem:s23+$0x100] =	vst v34  }
0xa2: {  	v34 =	vld.idx.msk [tilespmem:v36+s12+$0x0], $0xffff  }
0xa3: {  	v37 =	vor.u32 v5, v33;
	_ =	sdelay $0x3  }
0xa4: {  	[tilespmem:s23+$0x180] =	vst v34  }
0xa5: {  	v34 =	vld.idx.msk [tilespmem:v37+s12+$0x0], $0xffff  }
0xa6: {  	v38 =	vor.u32 v6, v33;
	_ =	sdelay $0x3  }
0xa7: {  	[tilespmem:s23+$0x200] =	vst v34  }
0xa8: {  	v34 =	vld.idx.msk [tilespmem:v38+s12+$0x0], $0xffff  }
0xa9: {  	v39 =	vor.u32 v7, v33;
	_ =	sdelay $0x3  }
0xaa: {  	[tilespmem:s23+$0x280] =	vst v34  }
0xab: {  	v34 =	vld.idx.msk [tilespmem:v39+s12+$0x0], $0xffff  }
0xac: {  	v40 =	vor.u32 v8, v33;
	_ =	sdelay $0x3  }
0xad: {  	[tilespmem:s23+$0x300] =	vst v34  }
0xae: {  	v34 =	vld.idx.msk [tilespmem:v40+s12+$0x0], $0xffff  }
0xaf: {  	v41 =	vor.u32 v9, v33;
	_ =	sdelay $0x1  }
0xb0: {  	s31 =	sor.u32 s28, s20  }
0xb1: {  	s20 =	sor.u32 $0x380, s31  }
0xb2: {  	[tilespmem:s20+$0x10400] =	vst v34  }
0xb3: {  	v34 =	vld.idx.msk [tilespmem:v41+s12+$0x0], $0xffff  }
0xb4: {  	v42 =	vor.u32 v10, v33;
	_ =	sdelay $0x3  }
0xb5: {  	[tilespmem:s21+$0x11400] =	vst v34  }
0xb6: {  	v34 =	vld.idx.msk [tilespmem:v42+s12+$0x0], $0xffff  }
0xb7: {  	v43 =	vor.u32 v11, v33;
	_ =	sdelay $0x3  }
0xb8: {  	[tilespmem:s21+$0x11480] =	vst v34  }
0xb9: {  	v34 =	vld.idx.msk [tilespmem:v43+s12+$0x0], $0xffff  }
0xba: {  	v44 =	vor.u32 v12, v33;
	_ =	sdelay $0x3  }
0xbb: {  	[tilespmem:s21+$0x11500] =	vst v34  }
0xbc: {  	v34 =	vld.idx.msk [tilespmem:v44+s12+$0x0], $0xffff  }
0xbd: {  	v45 =	vor.u32 v13, v33;
	_ =	sdelay $0x3  }
0xbe: {  	[tilespmem:s21+$0x11580] =	vst v34  }
0xbf: {  	v34 =	vld.idx.msk [tilespmem:v45+s12+$0x0], $0xffff  }
0xc0: {  	v46 =	vor.u32 v14, v33;
	_ =	sdelay $0x3  }
0xc1: {  	[tilespmem:s21+$0x11600] =	vst v34  }
0xc2: {  	v34 =	vld.idx.msk [tilespmem:v46+s12+$0x0], $0xffff  }
0xc3: {  	v47 =	vor.u32 v15, v33;
	_ =	sdelay $0x3  }
0xc4: {  	[tilespmem:s21+$0x11680] =	vst v34  }
0xc5: {  	v34 =	vld.idx.msk [tilespmem:v47+s12+$0x0], $0xffff  }
0xc6: {  	v48 =	vor.u32 v16, v33;
	_ =	sdelay $0x3  }
0xc7: {  	[tilespmem:s21+$0x11700] =	vst v34  }
0xc8: {  	v34 =	vld.idx.msk [tilespmem:v48+s12+$0x0], $0xffff  }
0xc9: {  	v49 =	vor.u32 v17, v33;
	_ =	sdelay $0x3  }
0xca: {  	[tilespmem:s21+$0x11780] =	vst v34  }
0xcb: {  	v34 =	vld.idx.msk [tilespmem:v49+s12+$0x0], $0xffff  }
0xcc: {  	v50 =	vor.u32 v18, v33;
	_ =	sdelay $0x3  }
0xcd: {  	[tilespmem:s21+$0x12400] =	vst v34  }
0xce: {  	v34 =	vld.idx.msk [tilespmem:v50+s12+$0x0], $0xffff  }
0xcf: {  	v51 =	vor.u32 v19, v33;
	_ =	sdelay $0x3  }
0xd0: {  	[tilespmem:s21+$0x12480] =	vst v34  }
0xd1: {  	v34 =	vld.idx.msk [tilespmem:v51+s12+$0x0], $0xffff  }
0xd2: {  	v52 =	vor.u32 v20, v33;
	_ =	sdelay $0x3  }
0xd3: {  	[tilespmem:s21+$0x12500] =	vst v34  }
0xd4: {  	v34 =	vld.idx.msk [tilespmem:v52+s12+$0x0], $0xffff  }
0xd5: {  	v53 =	vor.u32 v21, v33;
	_ =	sdelay $0x3  }
0xd6: {  	[tilespmem:s21+$0x12580] =	vst v34  }
0xd7: {  	v34 =	vld.idx.msk [tilespmem:v53+s12+$0x0], $0xffff  }
0xd8: {  	v54 =	vor.u32 v22, v33;
	_ =	sdelay $0x3  }
0xd9: {  	[tilespmem:s21+$0x12600] =	vst v34  }
0xda: {  	v34 =	vld.idx.msk [tilespmem:v54+s12+$0x0], $0xffff  }
0xdb: {  	v55 =	vor.u32 v23, v33;
	_ =	sdelay $0x3  }
0xdc: {  	[tilespmem:s21+$0x12680] =	vst v34  }
0xdd: {  	v34 =	vld.idx.msk [tilespmem:v55+s12+$0x0], $0xffff  }
0xde: {  	v56 =	vor.u32 v24, v33;
	_ =	sdelay $0x3  }
0xdf: {  	[tilespmem:s21+$0x12700] =	vst v34  }
0xe0: {  	v34 =	vld.idx.msk [tilespmem:v56+s12+$0x0], $0xffff  }
0xe1: {  	v57 =	vor.u32 v25, v33;
	_ =	sdelay $0x3  }
0xe2: {  	[tilespmem:s21+$0x12780] =	vst v34  }
0xe3: {  	v34 =	vld.idx.msk [tilespmem:v57+s12+$0x0], $0xffff  }
0xe4: {  	v58 =	vor.u32 v26, v33;
	_ =	sdelay $0x3  }
0xe5: {  	[tilespmem:s21+$0x13400] =	vst v34  }
0xe6: {  	v34 =	vld.idx.msk [tilespmem:v58+s12+$0x0], $0xffff  }
0xe7: {  	v59 =	vor.u32 v27, v33;
	_ =	sdelay $0x3  }
0xe8: {  	[tilespmem:s21+$0x13480] =	vst v34  }
0xe9: {  	v34 =	vld.idx.msk [tilespmem:v59+s12+$0x0], $0xffff  }
0xea: {  	v60 =	vor.u32 v28, v33;
	_ =	sdelay $0x3  }
0xeb: {  	[tilespmem:s21+$0x13500] =	vst v34  }
0xec: {  	v34 =	vld.idx.msk [tilespmem:v60+s12+$0x0], $0xffff  }
0xed: {  	v61 =	vor.u32 v29, v33;
	_ =	sdelay $0x3  }
0xee: {  	[tilespmem:s21+$0x13580] =	vst v34  }
0xef: {  	v34 =	vld.idx.msk [tilespmem:v61+s12+$0x0], $0xffff  }
0xf0: {  	v62 =	vor.u32 v30, v33;
	_ =	sdelay $0x3  }
0xf1: {  	[tilespmem:s21+$0x13600] =	vst v34  }
0xf2: {  	v34 =	vld.idx.msk [tilespmem:v62+s12+$0x0], $0xffff  }
0xf3: {  	v63 =	vor.u32 v31, v33;
	_ =	sdelay $0x3  }
0xf4: {  	[tilespmem:s21+$0x13680] =	vst v34  }
0xf5: {  	v34 =	vld.idx.msk [tilespmem:v63+s12+$0x0], $0xffff  }
0xf6: {  	v33 =	vor.u32 v32, v33;
	_ =	sdelay $0x3  }
0xf7: {  	s19 =	sadd.s32 $0x1, s19;
	[tilespmem:s21+$0x13700] =	vst v34  }
0xf8: {  	p0 =	sne.s32 s19, $0x20;
	v33 =	vld.idx.msk [tilespmem:v33+s12+$0x0], $0xffff  }
.Ltmp1:
0xf9: {  	_ = 	snop;
	(pc) =	sbr.rel @p0 .LBB2_2-.Ltmp1, $2  }
0xfa: {  	_ =	sdelay $0x2  }
0xfb: {  	[tilespmem:s21+$0x13780] =	vst v33  }
0xfc: {  	[hbm4b:s7+s15] =	stream.strided.scatter [tilespmem:s17], [sflag:$0x2], $0x4000, s16, s15, $0x38;
	[tilespmem:$0x14400] =	vst v63  }
0xfd: {  	_ =	swait.ge [sflag:s10], $0x4000  }
0xfe: {  	[sflag:s10] =	ssyncset.done $0x0  }
0xff: {  	s19 =	simm.s32 $0x0;
	s20 =	simm.s32 $0x0;
	[sflag:s10] =	ssyncadd.s32 $0xFFFFC000  }
.LBB2_6:
0x100: {  	s21 =	sshll.u32 s20, $0x4  }
0x101: {  	v33 =	vld [tilespmem:s21+$0x200];
	_ =	sdelay $0x3  }
0x102: {  	v35 =	vmov s19  }
0x103: {  	vm0 =	veq.s32 v35, v0;
	v34 =	vxor.u32 $0x80000000, v33  }
0x104: {  	s22 =	simm.s32 $0x1;
	v35 =	vnsel vm0, $0x80000000, v34  }
0x105: {  	v56 =	vmov s22;
	(xrf0) =	vmax.scan.msk.u32 $0xffff, v35  }
0x106: {  	vm12 =	veq.s32 v56, v0  }
0x107: {  	v35 =	vnsel vm12, $0x80000000, v34  }
0x108: {  	(xrf0) =	vmax.scan.msk.u32 $0xffff, v35;
	_ =	sdelay $0x2  }
0x109: {  	v57, _, _ =	vpop (xrf0)  }
0x10a: {  	(v2sf) =	vpush v57, $0xF;
	_ =	sdelay $0x1  }
0x10b: {  	v58, _, _ =	vpop (xrf0)  }
0x10c: {  	(v2sf) =	vpush v58, $0xF;
	_ =	sdelay $0x1  }
0x10d: {  	s29 =	simm.s32 $0x2  }
0x10e: {  	v59 =	vmov s29  }
0x10f: {  	s30 =	simm.s32 $0x3;
	vm13 =	veq.s32 v59, v0  }
0x110: {  	v60 =	vmov s30;
	v36 =	vnsel vm13, $0x80000000, v34  }
0x111: {  	vm14 =	veq.s32 v60, v0;
	(xrf0) =	vmax.scan.msk.u32 $0xffff, v36  }
0x112: {  	v35 =	vnsel vm14, $0x80000000, v34  }
0x113: {  	(xrf0) =	vmax.scan.msk.u32 $0xffff, v35;
	_ =	sdelay $0x3  }
0x114: {  	v36, _, _ =	vpop (xrf0);
	s24 =	spop (v2sf)  }
0x115: {  	(v2sf) =	vpush v36, $0xF;
	s23 =	sxor.u32 $0x80000000, s24  }
0x116: {  	v62, _, _ =	vpop (xrf0);
	p1 =	slt.s32 s23, $0x1;
	s23 =	sshra.s32 s23, $0x1F  }
0x117: {  	s31 =	sshrl.u32 s23, $0x19;
	s23 =	spop (v2sf);
	(v2sf) =	vpush v62, $0xF  }
0x118: {  	p0 =	sgt.s32 s24, $0xFFFFFFFF;
	s26 =	sand.u32 $0x7F, s24  }
0x119: {  	s25 =	simm.s32 $0x4;
	p6 =	sne.s32 s26, $0x0;
	p0 =	por p0, p1  }
0x11a: {  	s22 =	simm.s32 $0x400;
	v61 =	vmov s25;
	p0 =	por !p6, !p0  }
0x11b: {  	vm15 =	veq.s32 v61, v0;
	s26 =	simm.s32 $0x1;
	s24 =	sadd.s32 s31, s24;
	p1 =	por !p0, !p0  }
0x11c: {  	v63 =	vnsel vm15, $0x80000000, v34;
	s25 =	sand.u32 $0x7F, s23;
	s28 =	sshrl.u32 s24, $0x7;
	s26 =	simm.s32 @!p1 $0x0  }
0x11d: {  	(xrf0) =	vmax.scan.msk.u32 $0xffff, v63;
	p0 =	sgt.s32 s23, $0xFFFFFFFF;
	s24 =	simm.s32 $0x5;
	s26 =	ssub.s32 s28, s26  }
.LBB2_7:
0x11e: {  	p1 =	sne.s32 s24, $0xF;
	s28 =	sxor.u32 $0x80000000, s23;
	s26 =	sshll.u32 s26, $0x7  }
0x11f: {  	s29 =	sshra.s32 s28, $0x1F;
	p2 =	slt.s32 s28, $0x1;
	s26 =	sand.u32 $0x1FFFFF80, s26  }
0x120: {  	p0 =	por p0, p2;
	p2 =	sne.s32 s25, $0x0;
	s25 =	sadd.s32 s2, s26  }
0x121: {  	[tilespmem:s22], [sflag:$0x1] =	stream.strided.gather [hbm4b:s25+s12], $0x1000, s14, s12, $0x38;
	[tilespmem:$0x14400] =	vst v63  }
.Ltmp2:
0x122: {  	s28 =	simm.s32 $0x1;
	(pc) =	sbr.rel @p1 .LBB2_7-.Ltmp2, $4  }
0x123: {  	v36 =	vmov s24;
	s25 =	sshrl.u32 s29, $0x19;
	p0 =	por !p2, !p0;
	s22 =	sadd.s32 $0x1000, s22  }
0x124: {  	vm0 =	veq.s32 v36, v0;
	s25 =	sadd.s32 s25, s23;
	p2 =	por !p0, !p0;
	v35, _, _ =	vpop (xrf0);
	s23 =	spop (v2sf)  }
0x125: {  	v36 =	vnsel vm0, $0x80000000, v34;
	s26 =	sshrl.u32 s25, $0x7;
	s28 =	simm.s32 @!p2 $0x0;
	(v2sf) =	vpush v35, $0xF;
	p0 =	sgt.s32 s23, $0xFFFFFFFF  }
0x126: {  	s24 =	sadd.s32 $0x1, s24;
	s25 =	sand.u32 $0x7F, s23;
	s26 =	ssub.s32 s26, s28;
	(xrf0) =	vmax.scan.msk.u32 $0xffff, v36  }
0x127: {  	s24 =	sxor.u32 $0x80000000, s23;
	s26 =	sshll.u32 s26, $0x7;
	p3 =	sne.s32 s25, $0x0  }
0x128: {  	s25 =	spop (v2sf);
	p1 =	slt.s32 s24, $0x1;
	s31 =	sand.u32 $0x1FFFFF80, s26  }
0x129: {  	s28 =	sshra.s32 s24, $0x1F;
	p0 =	por p0, p1;
	s24 =	sadd.s32 s2, s31  }
0x12a: {  	[tilespmem:s22], [sflag:$0x1] =	stream.strided.gather [hbm4b:s24+s12], $0x1000, s14, s12, $0x38;
	[tilespmem:$0x14400] =	vst v63  }
0x12b: {  	p4 =	sgt.s32 s25, $0xFFFFFFFF;
	s26 =	sshrl.u32 s28, $0x19;
	p0 =	por !p3, !p0  }
0x12c: {  	s28 =	sadd.s32 s26, s23;
	s24 =	simm.s32 $0x1;
	p0 =	por !p0, !p0  }
0x12d: {  	s30 =	sxor.u32 $0x80000000, s25;
	s23 =	sshrl.u32 s28, $0x7;
	s24 =	simm.s32 @!p0 $0x0  }
0x12e: {  	s29 =	sand.u32 $0x7F, s25;
	s31 =	sshra.s32 s30, $0x1F;
	s23 =	ssub.s32 s23, s24  }
0x12f: {  	p5 =	slt.s32 s30, $0x1;
	p6 =	sne.s32 s29, $0x0;
	v34, _, _ =	vpop (xrf0);
	s23 =	sshll.u32 s23, $0x7  }
0x130: {  	s22 =	sadd.s32 $0x1000, s22;
	p0 =	por p4, p5;
	(v2sf) =	vpush v34, $0xF;
	s23 =	sand.u32 $0x1FFFFF80, s23  }
0x131: {  	s28 =	sshrl.u32 s31, $0x19;
	p0 =	por !p6, !p0;
	s23 =	sadd.s32 s2, s23  }
0x132: {  	[tilespmem:s22], [sflag:$0x1] =	stream.strided.gather [hbm4b:s23+s12], $0x1000, s14, s12, $0x38;
	[tilespmem:$0x14400] =	vst v63  }
0x133: {  	s24 =	simm.s32 $0x1;
	p0 =	por !p0, !p0;
	s23 =	sadd.s32 s28, s25  }
0x134: {  	s24 =	simm.s32 @!p0 $0x0;
	s23 =	sshrl.u32 s23, $0x7  }
0x135: {  	s23 =	ssub.s32 s23, s24  }
0x136: {  	s22 =	sadd.s32 $0x1000, s22;
	s25 =	spop (v2sf);
	s23 =	sshll.u32 s23, $0x7  }
0x137: {  	p1 =	sgt.s32 s25, $0xFFFFFFFF;
	s29 =	sand.u32 $0x7F, s25;
	s30 =	sxor.u32 $0x80000000, s25  }
0x138: {  	s23 =	sand.u32 $0x1FFFFF80, s23;
	s31 =	sshra.s32 s30, $0x1F;
	p2 =	slt.s32 s30, $0x1  }
0x139: {  	p3 =	sne.s32 s29, $0x0;
	s23 =	sadd.s32 s2, s23;
	p0 =	por p1, p2  }
0x13a: {  	[tilespmem:s22], [sflag:$0x1] =	stream.strided.gather [hbm4b:s23+s12], $0x1000, s14, s12, $0x38;
	[tilespmem:$0x14400] =	vst v63  }
0x13b: {  	s28 =	sshrl.u32 s31, $0x19;
	p0 =	por !p3, !p0  }
0x13c: {  	s24 =	simm.s32 $0x1;
	s23 =	sadd.s32 s28, s25;
	p0 =	por !p0, !p0  }
0x13d: {  	s23 =	sshrl.u32 s23, $0x7;
	s24 =	simm.s32 @!p0 $0x0  }
0x13e: {  	s23 =	ssub.s32 s23, s24  }
0x13f: {  	s22 =	sadd.s32 $0x1000, s22;
	s25 =	spop (v2sf);
	s23 =	sshll.u32 s23, $0x7  }
0x140: {  	p4 =	sgt.s32 s25, $0xFFFFFFFF;
	s29 =	sand.u32 $0x7F, s25;
	s30 =	sxor.u32 $0x80000000, s25  }
0x141: {  	s23 =	sand.u32 $0x1FFFFF80, s23;
	s31 =	sshra.s32 s30, $0x1F;
	p5 =	slt.s32 s30, $0x1  }
0x142: {  	p6 =	sne.s32 s29, $0x0;
	s23 =	sadd.s32 s2, s23;
	p0 =	por p4, p5  }
0x143: {  	[tilespmem:s22], [sflag:$0x1] =	stream.strided.gather [hbm4b:s23+s12], $0x1000, s14, s12, $0x38;
	[tilespmem:$0x14400] =	vst v63  }
0x144: {  	s26 =	sshrl.u32 s31, $0x19;
	p0 =	por !p6, !p0  }
0x145: {  	s24 =	simm.s32 $0x1;
	s23 =	sadd.s32 s26, s25;
	p0 =	por !p0, !p0  }
0x146: {  	s23 =	sshrl.u32 s23, $0x7;
	s24 =	simm.s32 @!p0 $0x0  }
0x147: {  	s23 =	ssub.s32 s23, s24  }
0x148: {  	s23 =	sshll.u32 s23, $0x7  }
0x149: {  	s23 =	sand.u32 $0x1FFFFF80, s23  }
0x14a: {  	s22 =	sadd.s32 $0x1000, s22;
	s23 =	sadd.s32 s2, s23  }
0x14b: {  	[tilespmem:s22], [sflag:$0x1] =	stream.strided.gather [hbm4b:s23+s12], $0x1000, s14, s12, $0x38;
	[tilespmem:$0x14400] =	vst v63  }
0x14c: {  	_ =	swait.ge [sflag:s13], $0x1000  }
0x14d: {  	[sflag:s13] =	ssyncset.done $0x0  }
0x14e: {  	[sflag:s13] =	ssyncadd.s32 $0xFFFFF000  }
0x14f: {  	_ =	swait.ge [sflag:s13], $0x1000  }
0x150: {  	[sflag:s13] =	ssyncset.done $0x0  }
0x151: {  	[sflag:s13] =	ssyncadd.s32 $0xFFFFF000  }
0x152: {  	_ =	swait.ge [sflag:s13], $0x1000  }
0x153: {  	[sflag:s13] =	ssyncset.done $0x0  }
0x154: {  	[sflag:s13] =	ssyncadd.s32 $0xFFFFF000  }
0x155: {  	_ =	swait.ge [sflag:s13], $0x1000  }
0x156: {  	[sflag:s13] =	ssyncset.done $0x0  }
0x157: {  	[sflag:s13] =	ssyncadd.s32 $0xFFFFF000  }
0x158: {  	_ =	swait.ge [sflag:s13], $0x1000  }
0x159: {  	[sflag:s13] =	ssyncset.done $0x0  }
0x15a: {  	[sflag:s13] =	ssyncadd.s32 $0xFFFFF000  }
0x15b: {  	_ =	swait.ge [sflag:s13], $0x1000  }
0x15c: {  	[sflag:s13] =	ssyncset.done $0x0  }
0x15d: {  	[sflag:s13] =	ssyncadd.s32 $0xFFFFF000  }
0x15e: {  	_ =	swait.ge [sflag:s13], $0x1000  }
0x15f: {  	[sflag:s13] =	ssyncset.done $0x0  }
0x160: {  	[sflag:s13] =	ssyncadd.s32 $0xFFFFF000  }
0x161: {  	_ =	swait.ge [sflag:s13], $0x1000  }
0x162: {  	[sflag:s13] =	ssyncset.done $0x0  }
0x163: {  	[sflag:s13] =	ssyncadd.s32 $0xFFFFF000  }
0x164: {  	_ =	swait.ge [sflag:s13], $0x1000  }
0x165: {  	[sflag:s13] =	ssyncset.done $0x0  }
0x166: {  	[sflag:s13] =	ssyncadd.s32 $0xFFFFF000  }
0x167: {  	_ =	swait.ge [sflag:s13], $0x1000  }
0x168: {  	[sflag:s13] =	ssyncset.done $0x0  }
0x169: {  	[sflag:s13] =	ssyncadd.s32 $0xFFFFF000  }
0x16a: {  	_ =	swait.ge [sflag:s13], $0x1000  }
0x16b: {  	[sflag:s13] =	ssyncset.done $0x0  }
0x16c: {  	[sflag:s13] =	ssyncadd.s32 $0xFFFFF000  }
0x16d: {  	_ =	swait.ge [sflag:s13], $0x1000  }
0x16e: {  	[sflag:s13] =	ssyncset.done $0x0  }
0x16f: {  	[sflag:s13] =	ssyncadd.s32 $0xFFFFF000  }
0x170: {  	_ =	swait.ge [sflag:s13], $0x1000  }
0x171: {  	[sflag:s13] =	ssyncset.done $0x0  }
0x172: {  	[sflag:s13] =	ssyncadd.s32 $0xFFFFF000  }
0x173: {  	_ =	swait.ge [sflag:s13], $0x1000  }
0x174: {  	[sflag:s13] =	ssyncset.done $0x0  }
0x175: {  	[sflag:s13] =	ssyncadd.s32 $0xFFFFF000  }
0x176: {  	v33 =	vand.u32 $0x7F, v33;
	_ =	swait.ge [sflag:s13], $0x1000  }
0x177: {  	v62 =	vor.u32 v1, v33;
	[sflag:s13] =	ssyncset.done $0x0  }
0x178: {  	[sflag:s13] =	ssyncadd.s32 $0xFFFFF000  }
0x179: {  	_ =	swait.ge [sflag:s13], $0x1000  }
0x17a: {  	[sflag:s13] =	ssyncset.done $0x0  }
0x17b: {  	[sflag:s13] =	ssyncadd.s32 $0xFFFFF000  }
0x17c: {  	v34 =	vld.idx.msk [tilespmem:v62+s12+$0x0], $0xffff  }
0x17d: {  	v35 =	vor.u32 v2, v33  }
0x17e: {  	s28 =	sshll.u32 s20, $0x7  }
0x17f: {  	s29 =	sand.u32 $0x70, s21;
	s30 =	sand.u32 $0xC00, s28  }
0x180: {  	s22 =	sor.u32 s29, s30  }
0x181: {  	[tilespmem:s22+$0x10400] =	vst v34  }
0x182: {  	v34 =	vld.idx.msk [tilespmem:v35+s12+$0x0], $0xffff  }
0x183: {  	v63 =	vor.u32 v3, v33;
	_ =	sdelay $0x2  }
0x184: {  	s24 =	sadd.s32 $0x10400, s22  }
0x185: {  	[tilespmem:s24+$0x80] =	vst v34  }
0x186: {  	v34 =	vld.idx.msk [tilespmem:v63+s12+$0x0], $0xffff  }
0x187: {  	v36 =	vor.u32 v4, v33;
	_ =	sdelay $0x3  }
0x188: {  	[tilespmem:s24+$0x100] =	vst v34  }
0x189: {  	v34 =	vld.idx.msk [tilespmem:v36+s12+$0x0], $0xffff  }
0x18a: {  	v37 =	vor.u32 v5, v33;
	_ =	sdelay $0x3  }
0x18b: {  	[tilespmem:s24+$0x180] =	vst v34  }
0x18c: {  	v34 =	vld.idx.msk [tilespmem:v37+s12+$0x0], $0xffff  }
0x18d: {  	v38 =	vor.u32 v6, v33;
	_ =	sdelay $0x3  }
0x18e: {  	[tilespmem:s24+$0x200] =	vst v34  }
0x18f: {  	v34 =	vld.idx.msk [tilespmem:v38+s12+$0x0], $0xffff  }
0x190: {  	v39 =	vor.u32 v7, v33;
	_ =	sdelay $0x3  }
0x191: {  	[tilespmem:s24+$0x280] =	vst v34  }
0x192: {  	v34 =	vld.idx.msk [tilespmem:v39+s12+$0x0], $0xffff  }
0x193: {  	v40 =	vor.u32 v8, v33;
	_ =	sdelay $0x3  }
0x194: {  	[tilespmem:s24+$0x300] =	vst v34  }
0x195: {  	v34 =	vld.idx.msk [tilespmem:v40+s12+$0x0], $0xffff  }
0x196: {  	v41 =	vor.u32 v9, v33;
	_ =	sdelay $0x1  }
0x197: {  	s31 =	sor.u32 s28, s21  }
0x198: {  	s21 =	sor.u32 $0x380, s31  }
0x199: {  	[tilespmem:s21+$0x10400] =	vst v34  }
0x19a: {  	v34 =	vld.idx.msk [tilespmem:v41+s12+$0x0], $0xffff  }
0x19b: {  	v42 =	vor.u32 v10, v33;
	_ =	sdelay $0x3  }
0x19c: {  	[tilespmem:s22+$0x11400] =	vst v34  }
0x19d: {  	v34 =	vld.idx.msk [tilespmem:v42+s12+$0x0], $0xffff  }
0x19e: {  	v43 =	vor.u32 v11, v33;
	_ =	sdelay $0x3  }
0x19f: {  	[tilespmem:s22+$0x11480] =	vst v34  }
0x1a0: {  	v34 =	vld.idx.msk [tilespmem:v43+s12+$0x0], $0xffff  }
0x1a1: {  	v44 =	vor.u32 v12, v33;
	_ =	sdelay $0x3  }
0x1a2: {  	[tilespmem:s22+$0x11500] =	vst v34  }
0x1a3: {  	v34 =	vld.idx.msk [tilespmem:v44+s12+$0x0], $0xffff  }
0x1a4: {  	v45 =	vor.u32 v13, v33;
	_ =	sdelay $0x3  }
0x1a5: {  	[tilespmem:s22+$0x11580] =	vst v34  }
0x1a6: {  	v34 =	vld.idx.msk [tilespmem:v45+s12+$0x0], $0xffff  }
0x1a7: {  	v46 =	vor.u32 v14, v33;
	_ =	sdelay $0x3  }
0x1a8: {  	[tilespmem:s22+$0x11600] =	vst v34  }
0x1a9: {  	v34 =	vld.idx.msk [tilespmem:v46+s12+$0x0], $0xffff  }
0x1aa: {  	v47 =	vor.u32 v15, v33;
	_ =	sdelay $0x3  }
0x1ab: {  	[tilespmem:s22+$0x11680] =	vst v34  }
0x1ac: {  	v34 =	vld.idx.msk [tilespmem:v47+s12+$0x0], $0xffff  }
0x1ad: {  	v48 =	vor.u32 v16, v33;
	_ =	sdelay $0x3  }
0x1ae: {  	[tilespmem:s22+$0x11700] =	vst v34  }
0x1af: {  	v34 =	vld.idx.msk [tilespmem:v48+s12+$0x0], $0xffff  }
0x1b0: {  	v49 =	vor.u32 v17, v33;
	_ =	sdelay $0x3  }
0x1b1: {  	[tilespmem:s22+$0x11780] =	vst v34  }
0x1b2: {  	v34 =	vld.idx.msk [tilespmem:v49+s12+$0x0], $0xffff  }
0x1b3: {  	v50 =	vor.u32 v18, v33;
	_ =	sdelay $0x3  }
0x1b4: {  	[tilespmem:s22+$0x12400] =	vst v34  }
0x1b5: {  	v34 =	vld.idx.msk [tilespmem:v50+s12+$0x0], $0xffff  }
0x1b6: {  	v51 =	vor.u32 v19, v33;
	_ =	sdelay $0x3  }
0x1b7: {  	[tilespmem:s22+$0x12480] =	vst v34  }
0x1b8: {  	v34 =	vld.idx.msk [tilespmem:v51+s12+$0x0], $0xffff  }
0x1b9: {  	v52 =	vor.u32 v20, v33;
	_ =	sdelay $0x3  }
0x1ba: {  	[tilespmem:s22+$0x12500] =	vst v34  }
0x1bb: {  	v34 =	vld.idx.msk [tilespmem:v52+s12+$0x0], $0xffff  }
0x1bc: {  	v53 =	vor.u32 v21, v33;
	_ =	sdelay $0x3  }
0x1bd: {  	[tilespmem:s22+$0x12580] =	vst v34  }
0x1be: {  	v34 =	vld.idx.msk [tilespmem:v53+s12+$0x0], $0xffff  }
0x1bf: {  	v54 =	vor.u32 v22, v33;
	_ =	sdelay $0x3  }
0x1c0: {  	[tilespmem:s22+$0x12600] =	vst v34  }
0x1c1: {  	v34 =	vld.idx.msk [tilespmem:v54+s12+$0x0], $0xffff  }
0x1c2: {  	v55 =	vor.u32 v23, v33;
	_ =	sdelay $0x3  }
0x1c3: {  	[tilespmem:s22+$0x12680] =	vst v34  }
0x1c4: {  	v34 =	vld.idx.msk [tilespmem:v55+s12+$0x0], $0xffff  }
0x1c5: {  	v56 =	vor.u32 v24, v33;
	_ =	sdelay $0x3  }
0x1c6: {  	[tilespmem:s22+$0x12700] =	vst v34  }
0x1c7: {  	v34 =	vld.idx.msk [tilespmem:v56+s12+$0x0], $0xffff  }
0x1c8: {  	v57 =	vor.u32 v25, v33;
	_ =	sdelay $0x3  }
0x1c9: {  	[tilespmem:s22+$0x12780] =	vst v34  }
0x1ca: {  	v34 =	vld.idx.msk [tilespmem:v57+s12+$0x0], $0xffff  }
0x1cb: {  	v58 =	vor.u32 v26, v33;
	_ =	sdelay $0x3  }
0x1cc: {  	[tilespmem:s22+$0x13400] =	vst v34  }
0x1cd: {  	v34 =	vld.idx.msk [tilespmem:v58+s12+$0x0], $0xffff  }
0x1ce: {  	v59 =	vor.u32 v27, v33;
	_ =	sdelay $0x3  }
0x1cf: {  	[tilespmem:s22+$0x13480] =	vst v34  }
0x1d0: {  	v34 =	vld.idx.msk [tilespmem:v59+s12+$0x0], $0xffff  }
0x1d1: {  	v60 =	vor.u32 v28, v33;
	_ =	sdelay $0x3  }
0x1d2: {  	[tilespmem:s22+$0x13500] =	vst v34  }
0x1d3: {  	v34 =	vld.idx.msk [tilespmem:v60+s12+$0x0], $0xffff  }
0x1d4: {  	v61 =	vor.u32 v29, v33;
	_ =	sdelay $0x3  }
0x1d5: {  	[tilespmem:s22+$0x13580] =	vst v34  }
0x1d6: {  	v34 =	vld.idx.msk [tilespmem:v61+s12+$0x0], $0xffff  }
0x1d7: {  	v62 =	vor.u32 v30, v33;
	_ =	sdelay $0x3  }
0x1d8: {  	[tilespmem:s22+$0x13600] =	vst v34  }
0x1d9: {  	v34 =	vld.idx.msk [tilespmem:v62+s12+$0x0], $0xffff  }
0x1da: {  	v63 =	vor.u32 v31, v33;
	_ =	sdelay $0x3  }
0x1db: {  	[tilespmem:s22+$0x13680] =	vst v34  }
0x1dc: {  	v34 =	vld.idx.msk [tilespmem:v63+s12+$0x0], $0xffff  }
0x1dd: {  	v33 =	vor.u32 v32, v33;
	_ =	sdelay $0x3  }
0x1de: {  	s20 =	sadd.s32 $0x1, s20;
	[tilespmem:s22+$0x13700] =	vst v34  }
0x1df: {  	p0 =	sne.s32 s20, $0x20;
	v33 =	vld.idx.msk [tilespmem:v33+s12+$0x0], $0xffff  }
.Ltmp3:
0x1e0: {  	_ = 	snop;
	(pc) =	sbr.rel @p0 .LBB2_6-.Ltmp3, $2  }
0x1e1: {  	_ =	sdelay $0x2  }
0x1e2: {  	[tilespmem:s22+$0x13780] =	vst v33  }
0x1e3: {  	s18 =	sadd.s32 $0x1, s18  }
0x1e4: {  	p0 =	sne.s32 s18, s9  }
.Ltmp4:
0x1e5: {  	_ = 	snop;
	(pc) =	sbr.rel @p0 .LBB2_1-.Ltmp4, $4  }
0x1e6: {  	[hbm4b:s8+s15] =	stream.strided.scatter [tilespmem:s17], [sflag:$0x2], $0x4000, s16, s15, $0x38;
	[tilespmem:$0x14400] =	vst v63  }
0x1e7: {  	_ =	swait.ge [sflag:s10], $0x4000  }
0x1e8: {  	[sflag:s10] =	ssyncset.done $0x0  }
0x1e9: {  	[sflag:s10] =	ssyncadd.s32 $0xFFFFC000  }
0x1ea: {  	_ =	sfence.sel $0x180000  }
0x1eb: {  	[bflag:$0x0] =	sbarrier.arrive $0xFFFF  }
0x1ec: {  	p0 =	sne.s32 s3, $0x0;
	_ =	strace $0x90000047  }
0x1ed: {  	s0 =	sadd.s32 @!p0 $0x100000, s0;
	[bflag:$0x2] =	sbarrier.arrive $0xFFFF  }
0x1ee: {  	[sflag:s0] =	ssyncadd.tile.s32 @!p0 $0x1;
	_ =	shalt  }
.Lfunc_end2:
_tile_overlayer_lowered:
.L_overlay_start_2:
0x1ef: {  	(tag) =	ssettag $0x2  }
0x1f0: {  	s0 =	rddreg [dreg:$0x0];
	s2 =	stileid.u32  }
0x1f1: {  	s1 =	rddreg [dreg:$0x1];
	p0 =	sne.s32 s2, $0x0  }
0x1f2: {  	s3 =	rddreg [dreg:$0x2];
	[bflag:$0x3] =	sbarrier.arrive $0xFFFF;
	s2 =	simm.s32 @!p0 $0x1C02  }
0x1f3: {  	[timem:s3], [sflag:s2] =	dma.local @!p0 [hbm:s0], s1  }
0x1f4: {  	s0 =	simm.s32 @!p0 $0x2  }
0x1f5: {  	_ =	swait.ge @!p0 [sflag:s0], s1  }
0x1f6: {  	s1 =	ssub.s32 @!p0 $0x0, s1;
	[sflag:s0] =	ssyncset.done @!p0 $0x0  }
0x1f7: {  	[sflag:s0] =	ssyncadd.s32 @!p0 s1  }
0x1f8: {  	[bflag:$0x3] =	sbarrier.arrive $0xFFFF  }
0x1f9: {  	_ =	shalt  }

</sc_bundles>
